<compile_context>
chip_gen: v7x
topology: tpu7x:2x2x1
jax: 0.10.2.dev20260603
libtpu: 0.0.44.dev20260713+nightly
codegen_flags: <defaults>
</compile_context>

<pallas_src>
import functools

import jax
import jax.numpy as jnp
from jax import lax
from jax.experimental import pallas as pl
from jax.experimental.pallas import tpu as pltpu
from jax.experimental.pallas import tpu_sc as plsc

N_VOCAB = 1000000
N_EMBED = 64
N_TOKENS = 16384 * 50

NC = 2
NS = 16
NW = NC * NS

G = 128
N_GROUPS = N_TOKENS // (NW * G)
K = 5
N_CHUNKS = N_GROUPS // K

_mesh = plsc.VectorSubcoreMesh(
    core_axis_name="c", subcore_axis_name="s", num_cores=NC, num_subcores=NS
)


def _make_emb(total_groups):
    n_groups = total_groups // NW
    n_chunks = n_groups // K

    @functools.partial(
        pl.kernel,
        mesh=_mesh,
        compiler_params=pltpu.CompilerParams(use_tc_tiling_on_sc=False),
        out_type=jax.ShapeDtypeStruct((total_groups, G, N_EMBED), jnp.float32),
        scratch_types=[
            pltpu.VMEM((n_groups, G), jnp.int32),
            pltpu.VMEM((K, G, N_EMBED), jnp.float32),
            pltpu.VMEM((K, G, N_EMBED), jnp.float32),
            pltpu.SemaphoreType.DMA,
            pltpu.SemaphoreType.DMA,
            pltpu.SemaphoreType.DMA,
            pltpu.SemaphoreType.DMA,
        ],
    )
    def _emb_lookup(idx_hbm, table_hbm, out_hbm, idx_all, rows0, rows1,
                    semg0, semg1, sems0, sems1):
        wid = lax.axis_index("s") * NC + lax.axis_index("c")
        gbase = wid * n_groups

        pltpu.sync_copy(idx_hbm.at[pl.ds(gbase, n_groups)], idx_all)

        rows = (rows0, rows1)
        semg = (semg0, semg1)
        sems = (sems0, sems1)

        def fire_gathers(c, b):
            for j in range(K):
                pltpu.async_copy(
                    table_hbm.at[idx_all.at[c * K + j]], rows[b].at[j], semg[b]
                )

        def drain_gathers(b):
            pltpu.make_async_copy(
                out_hbm.at[pl.ds(0, K)], rows[b], semg[b]).wait()

        def fire_store(c, b):
            pltpu.async_copy(
                rows[b], out_hbm.at[pl.ds(gbase + c * K, K)], sems[b])

        def drain_store(b):
            pltpu.make_async_copy(
                rows[b], out_hbm.at[pl.ds(0, K)], sems[b]).wait()

        fire_gathers(0, 0)

        def pair_body(p, carry):
            c0 = 2 * p

            @pl.when(p >= 1)
            def _():
                drain_store(1)

            fire_gathers(c0 + 1, 1)
            drain_gathers(0)
            fire_store(c0, 0)

            @pl.when(p < n_chunks // 2 - 1)
            def _():
                drain_store(0)
                fire_gathers(c0 + 2, 0)

            drain_gathers(1)
            fire_store(c0 + 1, 1)
            return carry

        lax.fori_loop(0, n_chunks // 2, pair_body, 0)

        drain_store(0)
        drain_store(1)

    return _emb_lookup


_emb = _make_emb(N_TOKENS // G)


def kernel(x, weight):
    idx2d = x.reshape(N_TOKENS // G, G).astype(jnp.int32)
    out = _emb(idx2d, weight)
    return out.reshape(x.shape + (weight.shape[1],))

# --- scband reference (transcript-rebuilt; emitter-appended) ---
"""Pipeline reference for scband-embedding-21638045237291 (READ-ONLY COPY).

The authoritative reference and input builder live on the scoring server;
editing this copy changes nothing except your own understanding.
"""

import jax, jax.numpy as jnp
import numpy as np

N_VOCAB = 1000000
N_EMBED = 64

def setup_inputs(seed: int = 0) -> dict:
    key = jax.random.key(seed)
    k_idx, k_w = jax.random.split(key)
    x = jax.random.randint(k_idx, (16384, 50), 0, N_VOCAB, dtype=jnp.int64 if jax.config.jax_enable_x64 else jnp.int32)
    weight = jax.random.normal(k_w, (N_VOCAB, N_EMBED), dtype=jnp.float32)
    return {"x": x, "weight": weight}

def reference(x, weight):
    # out = self.weight[x] -> gather rows of the embedding table
    out = jnp.take(weight, x, axis=0)
    return out

if __name__ == "__main__":
    import jax
    _d = setup_inputs()
    print(jax.jit(kernel)(*tuple(_d.values())))

</pallas_src>

<mosaic_0001>
#map = affine_map<(d0, d1) -> (0, 0)>
#map1 = affine_map<(d0, d1) -> (0, 0, 0)>
module attributes {stable_mosaic.version = 14 : i64} {
  func.func @_emb_lookup(%arg0: i32, %arg1: i32, %arg2: memref<6400x128xi32, #tpu.memory_space<hbm>>, %arg3: memref<1000000x64xf32, #tpu.memory_space<hbm>>, %arg4: memref<6400x128x64xf32, #tpu.memory_space<hbm>>, %arg5: memref<200x128xi32, #tpu.memory_space<vmem>>, %arg6: memref<5x128x64xf32, #tpu.memory_space<vmem>>, %arg7: memref<5x128x64xf32, #tpu.memory_space<vmem>>, %arg8: memref<!tpu.dma_semaphore, #tpu.memory_space<semaphore_mem>>, %arg9: memref<!tpu.dma_semaphore, #tpu.memory_space<semaphore_mem>>, %arg10: memref<!tpu.dma_semaphore, #tpu.memory_space<semaphore_mem>>, %arg11: memref<!tpu.dma_semaphore, #tpu.memory_space<semaphore_mem>>) attributes {dimension_semantics = [#tpu.dimension_semantics<core_parallel>, #tpu.dimension_semantics<subcore_parallel>], iteration_bounds = array<i64: 2, 16>, scalar_prefetch = 0 : i64, scratch_operands = 7 : i64, tpu.core_type = #tpu.core_type<sc_vector_subcore>, window_params = [{transform_indices = #map}, {transform_indices = #map}, {transform_indices = #map1}]} {
    %mul3A = arith.constant 2 : i32
    %mul3A_0 = arith.muli %arg1, %mul3A : i32
    %add3A = arith.addi %mul3A_0, %arg0 : i32
    %mul3A_1 = arith.constant 200 : i32
    %mul3A_2 = arith.muli %add3A, %mul3A_1 : i32
    "tpu.region"() ({
      %run_scoped3A = tpu.sem_alloc : memref<!tpu.dma_semaphore, #tpu.memory_space<semaphore_mem>>
      %dma_start3A_82 = arith.constant 0 : i32
      %dma_start3A_83 = tpu.memref_slice %arg2[%mul3A_2, %dma_start3A_82] : memref<6400x128xi32, #tpu.memory_space<hbm>> -> memref<200x128xi32, #tpu.memory_space<hbm>>
      %dma_start3A_84 = arith.constant 0 : i32
      %dma_start3A_85 = tpu.memref_slice %arg2[%mul3A_2, %dma_start3A_84] : memref<6400x128xi32, #tpu.memory_space<hbm>> -> memref<200x128xi32, #tpu.memory_space<hbm>>
      tpu.enqueue_dma source(%dma_start3A_85 : memref<200x128xi32, #tpu.memory_space<hbm>>) target(%arg5 : memref<200x128xi32, #tpu.memory_space<vmem>>) target_semaphore(%run_scoped3A : memref<!tpu.dma_semaphore, #tpu.memory_space<semaphore_mem>>)
      %dma_wait3A_86 = arith.constant 0 : i32
      %dma_wait3A_87 = tpu.memref_slice %arg2[%mul3A_2, %dma_wait3A_86] : memref<6400x128xi32, #tpu.memory_space<hbm>> -> memref<200x128xi32, #tpu.memory_space<hbm>>
      %dma_wait3A_88 = arith.constant 0 : i32
      %dma_wait3A_89 = tpu.memref_slice %arg2[%mul3A_2, %dma_wait3A_88] : memref<6400x128xi32, #tpu.memory_space<hbm>> -> memref<200x128xi32, #tpu.memory_space<hbm>>
      tpu.wait_dma2 semaphore(%run_scoped3A : memref<!tpu.dma_semaphore, #tpu.memory_space<semaphore_mem>>) src(%dma_wait3A_89 : memref<200x128xi32, #tpu.memory_space<hbm>>) dst(%arg5 : memref<200x128xi32, #tpu.memory_space<vmem>>)
      tpu.yield
    }) : () -> ()
    %dma_start3A = arith.constant 0 : i32
    %dma_start3A_3 = arith.constant 0 : i32
    %dma_start3A_4 = arith.constant 0 : i32
    %dma_start3A_5 = arith.constant 0 : i32
    %dma_start3A_6 = tpu.memref_slice %arg6[%dma_start3A_3, %dma_start3A_4, %dma_start3A_5] : memref<5x128x64xf32, #tpu.memory_space<vmem>> -> memref<1x128x64xf32, #tpu.memory_space<vmem>>
    %dma_start3A_7 = tpu.memref_squeeze %dma_start3A_6 : memref<1x128x64xf32, #tpu.memory_space<vmem>> -> memref<128x64xf32, #tpu.memory_space<vmem>>
    %dma_start3A_8 = arith.constant 0 : i32
    %dma_start3A_9 = tpu.memref_slice %arg5[%dma_start3A, %dma_start3A_8] : memref<200x128xi32, #tpu.memory_space<vmem>> -> memref<1x128xi32, #tpu.memory_space<vmem>>
    %dma_start3A_10 = tpu.memref_squeeze %dma_start3A_9 : memref<1x128xi32, #tpu.memory_space<vmem>> -> memref<128xi32, #tpu.memory_space<vmem>>
    %dma_start3A_11 = arith.constant 0 : i32
    %dma_start3A_12 = arith.constant 0 : i32
    %dma_start3A_13 = tpu.memref_slice %arg3[%dma_start3A_11, %dma_start3A_12] : memref<1000000x64xf32, #tpu.memory_space<hbm>> -> memref<1000000x64xf32, #tpu.memory_space<hbm>>
    tpu.enqueue_indirect_dma source(%dma_start3A_13 : memref<1000000x64xf32, #tpu.memory_space<hbm>>) target(%dma_start3A_7 : memref<128x64xf32, #tpu.memory_space<vmem>>) offsets(%dma_start3A_10 : memref<128xi32, #tpu.memory_space<vmem>>) semaphore(%arg8 : memref<!tpu.dma_semaphore, #tpu.memory_space<semaphore_mem>>)
    %dma_start3A_14 = arith.constant 1 : i32
    %dma_start3A_15 = arith.constant 1 : i32
    %dma_start3A_16 = arith.constant 0 : i32
    %dma_start3A_17 = arith.constant 0 : i32
    %dma_start3A_18 = tpu.memref_slice %arg6[%dma_start3A_15, %dma_start3A_16, %dma_start3A_17] : memref<5x128x64xf32, #tpu.memory_space<vmem>> -> memref<1x128x64xf32, #tpu.memory_space<vmem>>
    %dma_start3A_19 = tpu.memref_squeeze %dma_start3A_18 : memref<1x128x64xf32, #tpu.memory_space<vmem>> -> memref<128x64xf32, #tpu.memory_space<vmem>>
    %dma_start3A_20 = arith.constant 0 : i32
    %dma_start3A_21 = tpu.memref_slice %arg5[%dma_start3A_14, %dma_start3A_20] : memref<200x128xi32, #tpu.memory_space<vmem>> -> memref<1x128xi32, #tpu.memory_space<vmem>>
    %dma_start3A_22 = tpu.memref_squeeze %dma_start3A_21 : memref<1x128xi32, #tpu.memory_space<vmem>> -> memref<128xi32, #tpu.memory_space<vmem>>
    %dma_start3A_23 = arith.constant 0 : i32
    %dma_start3A_24 = arith.constant 0 : i32
    %dma_start3A_25 = tpu.memref_slice %arg3[%dma_start3A_23, %dma_start3A_24] : memref<1000000x64xf32, #tpu.memory_space<hbm>> -> memref<1000000x64xf32, #tpu.memory_space<hbm>>
    tpu.enqueue_indirect_dma source(%dma_start3A_25 : memref<1000000x64xf32, #tpu.memory_space<hbm>>) target(%dma_start3A_19 : memref<128x64xf32, #tpu.memory_space<vmem>>) offsets(%dma_start3A_22 : memref<128xi32, #tpu.memory_space<vmem>>) semaphore(%arg8 : memref<!tpu.dma_semaphore, #tpu.memory_space<semaphore_mem>>)
    %dma_start3A_26 = arith.constant 2 : i32
    %dma_start3A_27 = arith.constant 2 : i32
    %dma_start3A_28 = arith.constant 0 : i32
    %dma_start3A_29 = arith.constant 0 : i32
    %dma_start3A_30 = tpu.memref_slice %arg6[%dma_start3A_27, %dma_start3A_28, %dma_start3A_29] : memref<5x128x64xf32, #tpu.memory_space<vmem>> -> memref<1x128x64xf32, #tpu.memory_space<vmem>>
    %dma_start3A_31 = tpu.memref_squeeze %dma_start3A_30 : memref<1x128x64xf32, #tpu.memory_space<vmem>> -> memref<128x64xf32, #tpu.memory_space<vmem>>
    %dma_start3A_32 = arith.constant 0 : i32
    %dma_start3A_33 = tpu.memref_slice %arg5[%dma_start3A_26, %dma_start3A_32] : memref<200x128xi32, #tpu.memory_space<vmem>> -> memref<1x128xi32, #tpu.memory_space<vmem>>
    %dma_start3A_34 = tpu.memref_squeeze %dma_start3A_33 : memref<1x128xi32, #tpu.memory_space<vmem>> -> memref<128xi32, #tpu.memory_space<vmem>>
    %dma_start3A_35 = arith.constant 0 : i32
    %dma_start3A_36 = arith.constant 0 : i32
    %dma_start3A_37 = tpu.memref_slice %arg3[%dma_start3A_35, %dma_start3A_36] : memref<1000000x64xf32, #tpu.memory_space<hbm>> -> memref<1000000x64xf32, #tpu.memory_space<hbm>>
    tpu.enqueue_indirect_dma source(%dma_start3A_37 : memref<1000000x64xf32, #tpu.memory_space<hbm>>) target(%dma_start3A_31 : memref<128x64xf32, #tpu.memory_space<vmem>>) offsets(%dma_start3A_34 : memref<128xi32, #tpu.memory_space<vmem>>) semaphore(%arg8 : memref<!tpu.dma_semaphore, #tpu.memory_space<semaphore_mem>>)
    %dma_start3A_38 = arith.constant 3 : i32
    %dma_start3A_39 = arith.constant 3 : i32
    %dma_start3A_40 = arith.constant 0 : i32
    %dma_start3A_41 = arith.constant 0 : i32
    %dma_start3A_42 = tpu.memref_slice %arg6[%dma_start3A_39, %dma_start3A_40, %dma_start3A_41] : memref<5x128x64xf32, #tpu.memory_space<vmem>> -> memref<1x128x64xf32, #tpu.memory_space<vmem>>
    %dma_start3A_43 = tpu.memref_squeeze %dma_start3A_42 : memref<1x128x64xf32, #tpu.memory_space<vmem>> -> memref<128x64xf32, #tpu.memory_space<vmem>>
    %dma_start3A_44 = arith.constant 0 : i32
    %dma_start3A_45 = tpu.memref_slice %arg5[%dma_start3A_38, %dma_start3A_44] : memref<200x128xi32, #tpu.memory_space<vmem>> -> memref<1x128xi32, #tpu.memory_space<vmem>>
    %dma_start3A_46 = tpu.memref_squeeze %dma_start3A_45 : memref<1x128xi32, #tpu.memory_space<vmem>> -> memref<128xi32, #tpu.memory_space<vmem>>
    %dma_start3A_47 = arith.constant 0 : i32
    %dma_start3A_48 = arith.constant 0 : i32
    %dma_start3A_49 = tpu.memref_slice %arg3[%dma_start3A_47, %dma_start3A_48] : memref<1000000x64xf32, #tpu.memory_space<hbm>> -> memref<1000000x64xf32, #tpu.memory_space<hbm>>
    tpu.enqueue_indirect_dma source(%dma_start3A_49 : memref<1000000x64xf32, #tpu.memory_space<hbm>>) target(%dma_start3A_43 : memref<128x64xf32, #tpu.memory_space<vmem>>) offsets(%dma_start3A_46 : memref<128xi32, #tpu.memory_space<vmem>>) semaphore(%arg8 : memref<!tpu.dma_semaphore, #tpu.memory_space<semaphore_mem>>)
    %dma_start3A_50 = arith.constant 4 : i32
    %dma_start3A_51 = arith.constant 4 : i32
    %dma_start3A_52 = arith.constant 0 : i32
    %dma_start3A_53 = arith.constant 0 : i32
    %dma_start3A_54 = tpu.memref_slice %arg6[%dma_start3A_51, %dma_start3A_52, %dma_start3A_53] : memref<5x128x64xf32, #tpu.memory_space<vmem>> -> memref<1x128x64xf32, #tpu.memory_space<vmem>>
    %dma_start3A_55 = tpu.memref_squeeze %dma_start3A_54 : memref<1x128x64xf32, #tpu.memory_space<vmem>> -> memref<128x64xf32, #tpu.memory_space<vmem>>
    %dma_start3A_56 = arith.constant 0 : i32
    %dma_start3A_57 = tpu.memref_slice %arg5[%dma_start3A_50, %dma_start3A_56] : memref<200x128xi32, #tpu.memory_space<vmem>> -> memref<1x128xi32, #tpu.memory_space<vmem>>
    %dma_start3A_58 = tpu.memref_squeeze %dma_start3A_57 : memref<1x128xi32, #tpu.memory_space<vmem>> -> memref<128xi32, #tpu.memory_space<vmem>>
    %dma_start3A_59 = arith.constant 0 : i32
    %dma_start3A_60 = arith.constant 0 : i32
    %dma_start3A_61 = tpu.memref_slice %arg3[%dma_start3A_59, %dma_start3A_60] : memref<1000000x64xf32, #tpu.memory_space<hbm>> -> memref<1000000x64xf32, #tpu.memory_space<hbm>>
    tpu.enqueue_indirect_dma source(%dma_start3A_61 : memref<1000000x64xf32, #tpu.memory_space<hbm>>) target(%dma_start3A_55 : memref<128x64xf32, #tpu.memory_space<vmem>>) offsets(%dma_start3A_58 : memref<128xi32, #tpu.memory_space<vmem>>) semaphore(%arg8 : memref<!tpu.dma_semaphore, #tpu.memory_space<semaphore_mem>>)
    %scan3A = arith.constant 0 : i32
    %scan3A_62 = arith.constant 0 : i32
    %scan3A_63 = arith.constant 20 : i32
    %scan3A_64 = arith.addi %scan3A_62, %scan3A_63 : i32
    %scan3A_65 = arith.constant 1 : i32
    scf.for %scan3A_82 = %scan3A_62 to %scan3A_64 step %scan3A_65  : i32 {
      %mul3A_83 = arith.constant 2 : i32
      %mul3A_84 = arith.muli %mul3A_83, %scan3A_82 : i32
      %ge3A = arith.constant 1 : i32
      %ge3A_85 = arith.cmpi sge, %scan3A_82, %ge3A : i32
      %convert_element_type3A = arith.extui %ge3A_85 : i1 to i32
      %cond3A = arith.constant 0 : i32
      %cond3A_86 = arith.cmpi ne, %convert_element_type3A, %cond3A : i32
      scf.if %cond3A_86 {
        %dma_wait3A_204 = arith.constant 0 : i32
        %dma_wait3A_205 = arith.constant 0 : i32
        %dma_wait3A_206 = arith.constant 0 : i32
        %dma_wait3A_207 = tpu.memref_slice %arg4[%dma_wait3A_204, %dma_wait3A_205, %dma_wait3A_206] : memref<6400x128x64xf32, #tpu.memory_space<hbm>> -> memref<5x128x64xf32, #tpu.memory_space<hbm>>
        %dma_wait3A_208 = arith.constant 0 : i32
        %dma_wait3A_209 = arith.constant 0 : i32
        %dma_wait3A_210 = arith.constant 0 : i32
        %dma_wait3A_211 = tpu.memref_slice %arg4[%dma_wait3A_208, %dma_wait3A_209, %dma_wait3A_210] : memref<6400x128x64xf32, #tpu.memory_space<hbm>> -> memref<5x128x64xf32, #tpu.memory_space<hbm>>
        tpu.wait_dma2 semaphore(%arg11 : memref<!tpu.dma_semaphore, #tpu.memory_space<semaphore_mem>>) src(%arg7 : memref<5x128x64xf32, #tpu.memory_space<vmem>>) dst(%dma_wait3A_211 : memref<5x128x64xf32, #tpu.memory_space<hbm>>)
      } else {
      }
      %add3A_87 = arith.constant 1 : i32
      %add3A_88 = arith.addi %mul3A_84, %add3A_87 : i32
      %mul3A_89 = arith.constant 5 : i32
      %mul3A_90 = arith.muli %add3A_88, %mul3A_89 : i32
      %add3A_91 = arith.constant 0 : i32
      %add3A_92 = arith.addi %mul3A_90, %add3A_91 : i32
      %dma_start3A_93 = arith.constant 0 : i32
      %dma_start3A_94 = arith.constant 0 : i32
      %dma_start3A_95 = arith.constant 0 : i32
      %dma_start3A_96 = tpu.memref_slice %arg7[%dma_start3A_93, %dma_start3A_94, %dma_start3A_95] : memref<5x128x64xf32, #tpu.memory_space<vmem>> -> memref<1x128x64xf32, #tpu.memory_space<vmem>>
      %dma_start3A_97 = tpu.memref_squeeze %dma_start3A_96 : memref<1x128x64xf32, #tpu.memory_space<vmem>> -> memref<128x64xf32, #tpu.memory_space<vmem>>
      %dma_start3A_98 = arith.constant 0 : i32
      %dma_start3A_99 = tpu.memref_slice %arg5[%add3A_92, %dma_start3A_98] : memref<200x128xi32, #tpu.memory_space<vmem>> -> memref<1x128xi32, #tpu.memory_space<vmem>>
      %dma_start3A_100 = tpu.memref_squeeze %dma_start3A_99 : memref<1x128xi32, #tpu.memory_space<vmem>> -> memref<128xi32, #tpu.memory_space<vmem>>
      %dma_start3A_101 = arith.constant 0 : i32
      %dma_start3A_102 = arith.constant 0 : i32
      %dma_start3A_103 = tpu.memref_slice %arg3[%dma_start3A_101, %dma_start3A_102] : memref<1000000x64xf32, #tpu.memory_space<hbm>> -> memref<1000000x64xf32, #tpu.memory_space<hbm>>
      tpu.enqueue_indirect_dma source(%dma_start3A_103 : memref<1000000x64xf32, #tpu.memory_space<hbm>>) target(%dma_start3A_97 : memref<128x64xf32, #tpu.memory_space<vmem>>) offsets(%dma_start3A_100 : memref<128xi32, #tpu.memory_space<vmem>>) semaphore(%arg9 : memref<!tpu.dma_semaphore, #tpu.memory_space<semaphore_mem>>)
      %mul3A_104 = arith.constant 5 : i32
      %mul3A_105 = arith.muli %add3A_88, %mul3A_104 : i32
      %add3A_106 = arith.constant 1 : i32
      %add3A_107 = arith.addi %mul3A_105, %add3A_106 : i32
      %dma_start3A_108 = arith.constant 1 : i32
      %dma_start3A_109 = arith.constant 0 : i32
      %dma_start3A_110 = arith.constant 0 : i32
      %dma_start3A_111 = tpu.memref_slice %arg7[%dma_start3A_108, %dma_start3A_109, %dma_start3A_110] : memref<5x128x64xf32, #tpu.memory_space<vmem>> -> memref<1x128x64xf32, #tpu.memory_space<vmem>>
      %dma_start3A_112 = tpu.memref_squeeze %dma_start3A_111 : memref<1x128x64xf32, #tpu.memory_space<vmem>> -> memref<128x64xf32, #tpu.memory_space<vmem>>
      %dma_start3A_113 = arith.constant 0 : i32
      %dma_start3A_114 = tpu.memref_slice %arg5[%add3A_107, %dma_start3A_113] : memref<200x128xi32, #tpu.memory_space<vmem>> -> memref<1x128xi32, #tpu.memory_space<vmem>>
      %dma_start3A_115 = tpu.memref_squeeze %dma_start3A_114 : memref<1x128xi32, #tpu.memory_space<vmem>> -> memref<128xi32, #tpu.memory_space<vmem>>
      %dma_start3A_116 = arith.constant 0 : i32
      %dma_start3A_117 = arith.constant 0 : i32
      %dma_start3A_118 = tpu.memref_slice %arg3[%dma_start3A_116, %dma_start3A_117] : memref<1000000x64xf32, #tpu.memory_space<hbm>> -> memref<1000000x64xf32, #tpu.memory_space<hbm>>
      tpu.enqueue_indirect_dma source(%dma_start3A_118 : memref<1000000x64xf32, #tpu.memory_space<hbm>>) target(%dma_start3A_112 : memref<128x64xf32, #tpu.memory_space<vmem>>) offsets(%dma_start3A_115 : memref<128xi32, #tpu.memory_space<vmem>>) semaphore(%arg9 : memref<!tpu.dma_semaphore, #tpu.memory_space<semaphore_mem>>)
      %mul3A_119 = arith.constant 5 : i32
      %mul3A_120 = arith.muli %add3A_88, %mul3A_119 : i32
      %add3A_121 = arith.constant 2 : i32
      %add3A_122 = arith.addi %mul3A_120, %add3A_121 : i32
      %dma_start3A_123 = arith.constant 2 : i32
      %dma_start3A_124 = arith.constant 0 : i32
      %dma_start3A_125 = arith.constant 0 : i32
      %dma_start3A_126 = tpu.memref_slice %arg7[%dma_start3A_123, %dma_start3A_124, %dma_start3A_125] : memref<5x128x64xf32, #tpu.memory_space<vmem>> -> memref<1x128x64xf32, #tpu.memory_space<vmem>>
      %dma_start3A_127 = tpu.memref_squeeze %dma_start3A_126 : memref<1x128x64xf32, #tpu.memory_space<vmem>> -> memref<128x64xf32, #tpu.memory_space<vmem>>
      %dma_start3A_128 = arith.constant 0 : i32
      %dma_start3A_129 = tpu.memref_slice %arg5[%add3A_122, %dma_start3A_128] : memref<200x128xi32, #tpu.memory_space<vmem>> -> memref<1x128xi32, #tpu.memory_space<vmem>>
      %dma_start3A_130 = tpu.memref_squeeze %dma_start3A_129 : memref<1x128xi32, #tpu.memory_space<vmem>> -> memref<128xi32, #tpu.memory_space<vmem>>
      %dma_start3A_131 = arith.constant 0 : i32
      %dma_start3A_132 = arith.constant 0 : i32
      %dma_start3A_133 = tpu.memref_slice %arg3[%dma_start3A_131, %dma_start3A_132] : memref<1000000x64xf32, #tpu.memory_space<hbm>> -> memref<1000000x64xf32, #tpu.memory_space<hbm>>
      tpu.enqueue_indirect_dma source(%dma_start3A_133 : memref<1000000x64xf32, #tpu.memory_space<hbm>>) target(%dma_start3A_127 : memref<128x64xf32, #tpu.memory_space<vmem>>) offsets(%dma_start3A_130 : memref<128xi32, #tpu.memory_space<vmem>>) semaphore(%arg9 : memref<!tpu.dma_semaphore, #tpu.memory_space<semaphore_mem>>)
      %mul3A_134 = arith.constant 5 : i32
      %mul3A_135 = arith.muli %add3A_88, %mul3A_134 : i32
      %add3A_136 = arith.constant 3 : i32
      %add3A_137 = arith.addi %mul3A_135, %add3A_136 : i32
      %dma_start3A_138 = arith.constant 3 : i32
      %dma_start3A_139 = arith.constant 0 : i32
      %dma_start3A_140 = arith.constant 0 : i32
      %dma_start3A_141 = tpu.memref_slice %arg7[%dma_start3A_138, %dma_start3A_139, %dma_start3A_140] : memref<5x128x64xf32, #tpu.memory_space<vmem>> -> memref<1x128x64xf32, #tpu.memory_space<vmem>>
      %dma_start3A_142 = tpu.memref_squeeze %dma_start3A_141 : memref<1x128x64xf32, #tpu.memory_space<vmem>> -> memref<128x64xf32, #tpu.memory_space<vmem>>
      %dma_start3A_143 = arith.constant 0 : i32
      %dma_start3A_144 = tpu.memref_slice %arg5[%add3A_137, %dma_start3A_143] : memref<200x128xi32, #tpu.memory_space<vmem>> -> memref<1x128xi32, #tpu.memory_space<vmem>>
      %dma_start3A_145 = tpu.memref_squeeze %dma_start3A_144 : memref<1x128xi32, #tpu.memory_space<vmem>> -> memref<128xi32, #tpu.memory_space<vmem>>
      %dma_start3A_146 = arith.constant 0 : i32
      %dma_start3A_147 = arith.constant 0 : i32
      %dma_start3A_148 = tpu.memref_slice %arg3[%dma_start3A_146, %dma_start3A_147] : memref<1000000x64xf32, #tpu.memory_space<hbm>> -> memref<1000000x64xf32, #tpu.memory_space<hbm>>
      tpu.enqueue_indirect_dma source(%dma_start3A_148 : memref<1000000x64xf32, #tpu.memory_space<hbm>>) target(%dma_start3A_142 : memref<128x64xf32, #tpu.memory_space<vmem>>) offsets(%dma_start3A_145 : memref<128xi32, #tpu.memory_space<vmem>>) semaphore(%arg9 : memref<!tpu.dma_semaphore, #tpu.memory_space<semaphore_mem>>)
      %mul3A_149 = arith.constant 5 : i32
      %mul3A_150 = arith.muli %add3A_88, %mul3A_149 : i32
      %add3A_151 = arith.constant 4 : i32
      %add3A_152 = arith.addi %mul3A_150, %add3A_151 : i32
      %dma_start3A_153 = arith.constant 4 : i32
      %dma_start3A_154 = arith.constant 0 : i32
      %dma_start3A_155 = arith.constant 0 : i32
      %dma_start3A_156 = tpu.memref_slice %arg7[%dma_start3A_153, %dma_start3A_154, %dma_start3A_155] : memref<5x128x64xf32, #tpu.memory_space<vmem>> -> memref<1x128x64xf32, #tpu.memory_space<vmem>>
      %dma_start3A_157 = tpu.memref_squeeze %dma_start3A_156 : memref<1x128x64xf32, #tpu.memory_space<vmem>> -> memref<128x64xf32, #tpu.memory_space<vmem>>
      %dma_start3A_158 = arith.constant 0 : i32
      %dma_start3A_159 = tpu.memref_slice %arg5[%add3A_152, %dma_start3A_158] : memref<200x128xi32, #tpu.memory_space<vmem>> -> memref<1x128xi32, #tpu.memory_space<vmem>>
      %dma_start3A_160 = tpu.memref_squeeze %dma_start3A_159 : memref<1x128xi32, #tpu.memory_space<vmem>> -> memref<128xi32, #tpu.memory_space<vmem>>
      %dma_start3A_161 = arith.constant 0 : i32
      %dma_start3A_162 = arith.constant 0 : i32
      %dma_start3A_163 = tpu.memref_slice %arg3[%dma_start3A_161, %dma_start3A_162] : memref<1000000x64xf32, #tpu.memory_space<hbm>> -> memref<1000000x64xf32, #tpu.memory_space<hbm>>
      tpu.enqueue_indirect_dma source(%dma_start3A_163 : memref<1000000x64xf32, #tpu.memory_space<hbm>>) target(%dma_start3A_157 : memref<128x64xf32, #tpu.memory_space<vmem>>) offsets(%dma_start3A_160 : memref<128xi32, #tpu.memory_space<vmem>>) semaphore(%arg9 : memref<!tpu.dma_semaphore, #tpu.memory_space<semaphore_mem>>)
      %dma_wait3A_164 = arith.constant 0 : i32
      %dma_wait3A_165 = arith.constant 0 : i32
      %dma_wait3A_166 = arith.constant 0 : i32
      %dma_wait3A_167 = tpu.memref_slice %arg4[%dma_wait3A_164, %dma_wait3A_165, %dma_wait3A_166] : memref<6400x128x64xf32, #tpu.memory_space<hbm>> -> memref<5x128x64xf32, #tpu.memory_space<hbm>>
      %dma_wait3A_168 = arith.constant 0 : i32
      %dma_wait3A_169 = arith.constant 0 : i32
      %dma_wait3A_170 = arith.constant 0 : i32
      %dma_wait3A_171 = tpu.memref_slice %arg4[%dma_wait3A_168, %dma_wait3A_169, %dma_wait3A_170] : memref<6400x128x64xf32, #tpu.memory_space<hbm>> -> memref<5x128x64xf32, #tpu.memory_space<hbm>>
      tpu.wait_dma2 semaphore(%arg8 : memref<!tpu.dma_semaphore, #tpu.memory_space<semaphore_mem>>) src(%dma_wait3A_171 : memref<5x128x64xf32, #tpu.memory_space<hbm>>) dst(%arg6 : memref<5x128x64xf32, #tpu.memory_space<vmem>>)
      %mul3A_172 = arith.constant 5 : i32
      %mul3A_173 = arith.muli %mul3A_84, %mul3A_172 : i32
      %add3A_174 = arith.addi %mul3A_2, %mul3A_173 : i32
      %dma_start3A_175 = arith.constant 0 : i32
      %dma_start3A_176 = arith.constant 0 : i32
      %dma_start3A_177 = tpu.memref_slice %arg4[%add3A_174, %dma_start3A_175, %dma_start3A_176] : memref<6400x128x64xf32, #tpu.memory_space<hbm>> -> memref<5x128x64xf32, #tpu.memory_space<hbm>>
      %dma_start3A_178 = arith.constant 0 : i32
      %dma_start3A_179 = arith.constant 0 : i32
      %dma_start3A_180 = tpu.memref_slice %arg4[%add3A_174, %dma_start3A_178, %dma_start3A_179] : memref<6400x128x64xf32, #tpu.memory_space<hbm>> -> memref<5x128x64xf32, #tpu.memory_space<hbm>>
      tpu.enqueue_dma source(%arg6 : memref<5x128x64xf32, #tpu.memory_space<vmem>>) target(%dma_start3A_180 : memref<5x128x64xf32, #tpu.memory_space<hbm>>) target_semaphore(%arg10 : memref<!tpu.dma_semaphore, #tpu.memory_space<semaphore_mem>>)
      %lt3A = arith.constant 19 : i32
      %lt3A_181 = arith.cmpi slt, %scan3A_82, %lt3A : i32
      %convert_element_type3A_182 = arith.extui %lt3A_181 : i1 to i32
      %cond3A_183 = arith.constant 0 : i32
      %cond3A_184 = arith.cmpi ne, %convert_element_type3A_182, %cond3A_183 : i32
      scf.if %cond3A_184 {
        %dma_wait3A_204 = arith.constant 0 : i32
        %dma_wait3A_205 = arith.constant 0 : i32
        %dma_wait3A_206 = arith.constant 0 : i32
        %dma_wait3A_207 = tpu.memref_slice %arg4[%dma_wait3A_204, %dma_wait3A_205, %dma_wait3A_206] : memref<6400x128x64xf32, #tpu.memory_space<hbm>> -> memref<5x128x64xf32, #tpu.memory_space<hbm>>
        %dma_wait3A_208 = arith.constant 0 : i32
        %dma_wait3A_209 = arith.constant 0 : i32
        %dma_wait3A_210 = arith.constant 0 : i32
        %dma_wait3A_211 = tpu.memref_slice %arg4[%dma_wait3A_208, %dma_wait3A_209, %dma_wait3A_210] : memref<6400x128x64xf32, #tpu.memory_space<hbm>> -> memref<5x128x64xf32, #tpu.memory_space<hbm>>
        tpu.wait_dma2 semaphore(%arg10 : memref<!tpu.dma_semaphore, #tpu.memory_space<semaphore_mem>>) src(%arg6 : memref<5x128x64xf32, #tpu.memory_space<vmem>>) dst(%dma_wait3A_211 : memref<5x128x64xf32, #tpu.memory_space<hbm>>)
        %add3A_212 = arith.constant 2 : i32
        %add3A_213 = arith.addi %mul3A_84, %add3A_212 : i32
        %mul3A_214 = arith.constant 5 : i32
        %mul3A_215 = arith.muli %add3A_213, %mul3A_214 : i32
        %add3A_216 = arith.constant 0 : i32
        %add3A_217 = arith.addi %mul3A_215, %add3A_216 : i32
        %dma_start3A_218 = arith.constant 0 : i32
        %dma_start3A_219 = arith.constant 0 : i32
        %dma_start3A_220 = arith.constant 0 : i32
        %dma_start3A_221 = tpu.memref_slice %arg6[%dma_start3A_218, %dma_start3A_219, %dma_start3A_220] : memref<5x128x64xf32, #tpu.memory_space<vmem>> -> memref<1x128x64xf32, #tpu.memory_space<vmem>>
        %dma_start3A_222 = tpu.memref_squeeze %dma_start3A_221 : memref<1x128x64xf32, #tpu.memory_space<vmem>> -> memref<128x64xf32, #tpu.memory_space<vmem>>
        %dma_start3A_223 = arith.constant 0 : i32
        %dma_start3A_224 = tpu.memref_slice %arg5[%add3A_217, %dma_start3A_223] : memref<200x128xi32, #tpu.memory_space<vmem>> -> memref<1x128xi32, #tpu.memory_space<vmem>>
        %dma_start3A_225 = tpu.memref_squeeze %dma_start3A_224 : memref<1x128xi32, #tpu.memory_space<vmem>> -> memref<128xi32, #tpu.memory_space<vmem>>
        %dma_start3A_226 = arith.constant 0 : i32
        %dma_start3A_227 = arith.constant 0 : i32
        %dma_start3A_228 = tpu.memref_slice %arg3[%dma_start3A_226, %dma_start3A_227] : memref<1000000x64xf32, #tpu.memory_space<hbm>> -> memref<1000000x64xf32, #tpu.memory_space<hbm>>
        tpu.enqueue_indirect_dma source(%dma_start3A_228 : memref<1000000x64xf32, #tpu.memory_space<hbm>>) target(%dma_start3A_222 : memref<128x64xf32, #tpu.memory_space<vmem>>) offsets(%dma_start3A_225 : memref<128xi32, #tpu.memory_space<vmem>>) semaphore(%arg8 : memref<!tpu.dma_semaphore, #tpu.memory_space<semaphore_mem>>)
        %mul3A_229 = arith.constant 5 : i32
        %mul3A_230 = arith.muli %add3A_213, %mul3A_229 : i32
        %add3A_231 = arith.constant 1 : i32
        %add3A_232 = arith.addi %mul3A_230, %add3A_231 : i32
        %dma_start3A_233 = arith.constant 1 : i32
        %dma_start3A_234 = arith.constant 0 : i32
        %dma_start3A_235 = arith.constant 0 : i32
        %dma_start3A_236 = tpu.memref_slice %arg6[%dma_start3A_233, %dma_start3A_234, %dma_start3A_235] : memref<5x128x64xf32, #tpu.memory_space<vmem>> -> memref<1x128x64xf32, #tpu.memory_space<vmem>>
        %dma_start3A_237 = tpu.memref_squeeze %dma_start3A_236 : memref<1x128x64xf32, #tpu.memory_space<vmem>> -> memref<128x64xf32, #tpu.memory_space<vmem>>
        %dma_start3A_238 = arith.constant 0 : i32
        %dma_start3A_239 = tpu.memref_slice %arg5[%add3A_232, %dma_start3A_238] : memref<200x128xi32, #tpu.memory_space<vmem>> -> memref<1x128xi32, #tpu.memory_space<vmem>>
        %dma_start3A_240 = tpu.memref_squeeze %dma_start3A_239 : memref<1x128xi32, #tpu.memory_space<vmem>> -> memref<128xi32, #tpu.memory_space<vmem>>
        %dma_start3A_241 = arith.constant 0 : i32
        %dma_start3A_242 = arith.constant 0 : i32
        %dma_start3A_243 = tpu.memref_slice %arg3[%dma_start3A_241, %dma_start3A_242] : memref<1000000x64xf32, #tpu.memory_space<hbm>> -> memref<1000000x64xf32, #tpu.memory_space<hbm>>
        tpu.enqueue_indirect_dma source(%dma_start3A_243 : memref<1000000x64xf32, #tpu.memory_space<hbm>>) target(%dma_start3A_237 : memref<128x64xf32, #tpu.memory_space<vmem>>) offsets(%dma_start3A_240 : memref<128xi32, #tpu.memory_space<vmem>>) semaphore(%arg8 : memref<!tpu.dma_semaphore, #tpu.memory_space<semaphore_mem>>)
        %mul3A_244 = arith.constant 5 : i32
        %mul3A_245 = arith.muli %add3A_213, %mul3A_244 : i32
        %add3A_246 = arith.constant 2 : i32
        %add3A_247 = arith.addi %mul3A_245, %add3A_246 : i32
        %dma_start3A_248 = arith.constant 2 : i32
        %dma_start3A_249 = arith.constant 0 : i32
        %dma_start3A_250 = arith.constant 0 : i32
        %dma_start3A_251 = tpu.memref_slice %arg6[%dma_start3A_248, %dma_start3A_249, %dma_start3A_250] : memref<5x128x64xf32, #tpu.memory_space<vmem>> -> memref<1x128x64xf32, #tpu.memory_space<vmem>>
        %dma_start3A_252 = tpu.memref_squeeze %dma_start3A_251 : memref<1x128x64xf32, #tpu.memory_space<vmem>> -> memref<128x64xf32, #tpu.memory_space<vmem>>
        %dma_start3A_253 = arith.constant 0 : i32
        %dma_start3A_254 = tpu.memref_slice %arg5[%add3A_247, %dma_start3A_253] : memref<200x128xi32, #tpu.memory_space<vmem>> -> memref<1x128xi32, #tpu.memory_space<vmem>>
        %dma_start3A_255 = tpu.memref_squeeze %dma_start3A_254 : memref<1x128xi32, #tpu.memory_space<vmem>> -> memref<128xi32, #tpu.memory_space<vmem>>
        %dma_start3A_256 = arith.constant 0 : i32
        %dma_start3A_257 = arith.constant 0 : i32
        %dma_start3A_258 = tpu.memref_slice %arg3[%dma_start3A_256, %dma_start3A_257] : memref<1000000x64xf32, #tpu.memory_space<hbm>> -> memref<1000000x64xf32, #tpu.memory_space<hbm>>
        tpu.enqueue_indirect_dma source(%dma_start3A_258 : memref<1000000x64xf32, #tpu.memory_space<hbm>>) target(%dma_start3A_252 : memref<128x64xf32, #tpu.memory_space<vmem>>) offsets(%dma_start3A_255 : memref<128xi32, #tpu.memory_space<vmem>>) semaphore(%arg8 : memref<!tpu.dma_semaphore, #tpu.memory_space<semaphore_mem>>)
        %mul3A_259 = arith.constant 5 : i32
        %mul3A_260 = arith.muli %add3A_213, %mul3A_259 : i32
        %add3A_261 = arith.constant 3 : i32
        %add3A_262 = arith.addi %mul3A_260, %add3A_261 : i32
        %dma_start3A_263 = arith.constant 3 : i32
        %dma_start3A_264 = arith.constant 0 : i32
        %dma_start3A_265 = arith.constant 0 : i32
        %dma_start3A_266 = tpu.memref_slice %arg6[%dma_start3A_263, %dma_start3A_264, %dma_start3A_265] : memref<5x128x64xf32, #tpu.memory_space<vmem>> -> memref<1x128x64xf32, #tpu.memory_space<vmem>>
        %dma_start3A_267 = tpu.memref_squeeze %dma_start3A_266 : memref<1x128x64xf32, #tpu.memory_space<vmem>> -> memref<128x64xf32, #tpu.memory_space<vmem>>
        %dma_start3A_268 = arith.constant 0 : i32
        %dma_start3A_269 = tpu.memref_slice %arg5[%add3A_262, %dma_start3A_268] : memref<200x128xi32, #tpu.memory_space<vmem>> -> memref<1x128xi32, #tpu.memory_space<vmem>>
        %dma_start3A_270 = tpu.memref_squeeze %dma_start3A_269 : memref<1x128xi32, #tpu.memory_space<vmem>> -> memref<128xi32, #tpu.memory_space<vmem>>
        %dma_start3A_271 = arith.constant 0 : i32
        %dma_start3A_272 = arith.constant 0 : i32
        %dma_start3A_273 = tpu.memref_slice %arg3[%dma_start3A_271, %dma_start3A_272] : memref<1000000x64xf32, #tpu.memory_space<hbm>> -> memref<1000000x64xf32, #tpu.memory_space<hbm>>
        tpu.enqueue_indirect_dma source(%dma_start3A_273 : memref<1000000x64xf32, #tpu.memory_space<hbm>>) target(%dma_start3A_267 : memref<128x64xf32, #tpu.memory_space<vmem>>) offsets(%dma_start3A_270 : memref<128xi32, #tpu.memory_space<vmem>>) semaphore(%arg8 : memref<!tpu.dma_semaphore, #tpu.memory_space<semaphore_mem>>)
        %mul3A_274 = arith.constant 5 : i32
        %mul3A_275 = arith.muli %add3A_213, %mul3A_274 : i32
        %add3A_276 = arith.constant 4 : i32
        %add3A_277 = arith.addi %mul3A_275, %add3A_276 : i32
        %dma_start3A_278 = arith.constant 4 : i32
        %dma_start3A_279 = arith.constant 0 : i32
        %dma_start3A_280 = arith.constant 0 : i32
        %dma_start3A_281 = tpu.memref_slice %arg6[%dma_start3A_278, %dma_start3A_279, %dma_start3A_280] : memref<5x128x64xf32, #tpu.memory_space<vmem>> -> memref<1x128x64xf32, #tpu.memory_space<vmem>>
        %dma_start3A_282 = tpu.memref_squeeze %dma_start3A_281 : memref<1x128x64xf32, #tpu.memory_space<vmem>> -> memref<128x64xf32, #tpu.memory_space<vmem>>
        %dma_start3A_283 = arith.constant 0 : i32
        %dma_start3A_284 = tpu.memref_slice %arg5[%add3A_277, %dma_start3A_283] : memref<200x128xi32, #tpu.memory_space<vmem>> -> memref<1x128xi32, #tpu.memory_space<vmem>>
        %dma_start3A_285 = tpu.memref_squeeze %dma_start3A_284 : memref<1x128xi32, #tpu.memory_space<vmem>> -> memref<128xi32, #tpu.memory_space<vmem>>
        %dma_start3A_286 = arith.constant 0 : i32
        %dma_start3A_287 = arith.constant 0 : i32
        %dma_start3A_288 = tpu.memref_slice %arg3[%dma_start3A_286, %dma_start3A_287] : memref<1000000x64xf32, #tpu.memory_space<hbm>> -> memref<1000000x64xf32, #tpu.memory_space<hbm>>
        tpu.enqueue_indirect_dma source(%dma_start3A_288 : memref<1000000x64xf32, #tpu.memory_space<hbm>>) target(%dma_start3A_282 : memref<128x64xf32, #tpu.memory_space<vmem>>) offsets(%dma_start3A_285 : memref<128xi32, #tpu.memory_space<vmem>>) semaphore(%arg8 : memref<!tpu.dma_semaphore, #tpu.memory_space<semaphore_mem>>)
      } else {
      }
      %dma_wait3A_185 = arith.constant 0 : i32
      %dma_wait3A_186 = arith.constant 0 : i32
      %dma_wait3A_187 = arith.constant 0 : i32
      %dma_wait3A_188 = tpu.memref_slice %arg4[%dma_wait3A_185, %dma_wait3A_186, %dma_wait3A_187] : memref<6400x128x64xf32, #tpu.memory_space<hbm>> -> memref<5x128x64xf32, #tpu.memory_space<hbm>>
      %dma_wait3A_189 = arith.constant 0 : i32
      %dma_wait3A_190 = arith.constant 0 : i32
      %dma_wait3A_191 = arith.constant 0 : i32
      %dma_wait3A_192 = tpu.memref_slice %arg4[%dma_wait3A_189, %dma_wait3A_190, %dma_wait3A_191] : memref<6400x128x64xf32, #tpu.memory_space<hbm>> -> memref<5x128x64xf32, #tpu.memory_space<hbm>>
      tpu.wait_dma2 semaphore(%arg9 : memref<!tpu.dma_semaphore, #tpu.memory_space<semaphore_mem>>) src(%dma_wait3A_192 : memref<5x128x64xf32, #tpu.memory_space<hbm>>) dst(%arg7 : memref<5x128x64xf32, #tpu.memory_space<vmem>>)
      %add3A_193 = arith.constant 1 : i32
      %add3A_194 = arith.addi %mul3A_84, %add3A_193 : i32
      %mul3A_195 = arith.constant 5 : i32
      %mul3A_196 = arith.muli %add3A_194, %mul3A_195 : i32
      %add3A_197 = arith.addi %mul3A_2, %mul3A_196 : i32
      %dma_start3A_198 = arith.constant 0 : i32
      %dma_start3A_199 = arith.constant 0 : i32
      %dma_start3A_200 = tpu.memref_slice %arg4[%add3A_197, %dma_start3A_198, %dma_start3A_199] : memref<6400x128x64xf32, #tpu.memory_space<hbm>> -> memref<5x128x64xf32, #tpu.memory_space<hbm>>
      %dma_start3A_201 = arith.constant 0 : i32
      %dma_start3A_202 = arith.constant 0 : i32
      %dma_start3A_203 = tpu.memref_slice %arg4[%add3A_197, %dma_start3A_201, %dma_start3A_202] : memref<6400x128x64xf32, #tpu.memory_space<hbm>> -> memref<5x128x64xf32, #tpu.memory_space<hbm>>
      tpu.enqueue_dma source(%arg7 : memref<5x128x64xf32, #tpu.memory_space<vmem>>) target(%dma_start3A_203 : memref<5x128x64xf32, #tpu.memory_space<hbm>>) target_semaphore(%arg11 : memref<!tpu.dma_semaphore, #tpu.memory_space<semaphore_mem>>)
    }
    %scan3A_66 = arith.constant 20 : i32
    %dma_wait3A = arith.constant 0 : i32
    %dma_wait3A_67 = arith.constant 0 : i32
    %dma_wait3A_68 = arith.constant 0 : i32
    %dma_wait3A_69 = tpu.memref_slice %arg4[%dma_wait3A, %dma_wait3A_67, %dma_wait3A_68] : memref<6400x128x64xf32, #tpu.memory_space<hbm>> -> memref<5x128x64xf32, #tpu.memory_space<hbm>>
    %dma_wait3A_70 = arith.constant 0 : i32
    %dma_wait3A_71 = arith.constant 0 : i32
    %dma_wait3A_72 = arith.constant 0 : i32
    %dma_wait3A_73 = tpu.memref_slice %arg4[%dma_wait3A_70, %dma_wait3A_71, %dma_wait3A_72] : memref<6400x128x64xf32, #tpu.memory_space<hbm>> -> memref<5x128x64xf32, #tpu.memory_space<hbm>>
    tpu.wait_dma2 semaphore(%arg10 : memref<!tpu.dma_semaphore, #tpu.memory_space<semaphore_mem>>) src(%arg6 : memref<5x128x64xf32, #tpu.memory_space<vmem>>) dst(%dma_wait3A_73 : memref<5x128x64xf32, #tpu.memory_space<hbm>>)
    %dma_wait3A_74 = arith.constant 0 : i32
    %dma_wait3A_75 = arith.constant 0 : i32
    %dma_wait3A_76 = arith.constant 0 : i32
    %dma_wait3A_77 = tpu.memref_slice %arg4[%dma_wait3A_74, %dma_wait3A_75, %dma_wait3A_76] : memref<6400x128x64xf32, #tpu.memory_space<hbm>> -> memref<5x128x64xf32, #tpu.memory_space<hbm>>
    %dma_wait3A_78 = arith.constant 0 : i32
    %dma_wait3A_79 = arith.constant 0 : i32
    %dma_wait3A_80 = arith.constant 0 : i32
    %dma_wait3A_81 = tpu.memref_slice %arg4[%dma_wait3A_78, %dma_wait3A_79, %dma_wait3A_80] : memref<6400x128x64xf32, #tpu.memory_space<hbm>> -> memref<5x128x64xf32, #tpu.memory_space<hbm>>
    tpu.wait_dma2 semaphore(%arg11 : memref<!tpu.dma_semaphore, #tpu.memory_space<semaphore_mem>>) src(%arg7 : memref<5x128x64xf32, #tpu.memory_space<vmem>>) dst(%dma_wait3A_81 : memref<5x128x64xf32, #tpu.memory_space<hbm>>)
    return
  }
}

</mosaic_0001>

<sc_bundles>
// kernel: kernel.3.cloned.1.call-start
scs
__scs_entry_jumppad:
0x0: {  	(pc) =	sbr.rel $0x88, $3  }
0x1: {  	(tag) =	ssettag $0x0;
	lr =	simm.s32 $0x1  }
0x2: {  	[smem:$0x3F9F] =	sst lr;
	_ =	strace $0xD0000000  }
0x3: {  	_ = 	snop  }
0x4: {  	_ = 	snop  }
0x5: {  	_ = 	snop  }
0x6: {  	_ = 	snop  }
0x7: {  	_ = 	snop  }
__scs_overlays_trampoline_lowered:
0x8: {  	[smem:$0x3FAE] =	sst s0  }
0x9: {  	[smem:$0x3FAF] =	sst s1  }
0xa: {  	[smem:$0x3FB0] =	sst s2  }
0xb: {  	[smem:$0x3FB1] =	sst s3  }
0xc: {  	[smem:$0x3FB2] =	sst s4  }
0xd: {  	[smem:$0x3FB3] =	sst s5  }
0xe: {  	[smem:$0x3FB4] =	sst s6  }
0xf: {  	[smem:$0x3FB5] =	sst s7  }
0x10: {  	[smem:$0x3FB6] =	sst s8  }
0x11: {  	[smem:$0x3FB7] =	sst s9;
	s0 =	simm.s32 @!p0 $0x0  }
0x12: {  	s1 =	sld [smem:$0x3F9D];
	s0 =	simm.s32 @p0 $0x1  }
0x13: {  	[smem:$0x3FB8] =	sst s0;
	s0 =	simm.s32 @!p1 $0x0  }
0x14: {  	s2 =	sld [smem:$0x3F9C];
	s0 =	simm.s32 @p1 $0x1  }
0x15: {  	[smem:$0x3FB9] =	sst s0;
	s0 =	simm.s32 @!p2 $0x0  }
0x16: {  	s3 =	sld [smem:$0x3FDB];
	s0 =	simm.s32 @p2 $0x1  }
0x17: {  	s4 =	simm.s32 $0x1BF5;
	[smem:$0x3FBB] =	sst s0  }
0x18: {  	s0 =	sld [smem:$0x3F9E];
	_ =	swait.ge [sflag:s4], $0x0  }
0x19: {  	s7 =	sld [smem:$0x3F9F]  }
0x1a: {  	s8 =	sadd.s32 $0xFFFFE003, lr  }
0x1b: {  	s9 =	sadd.s32 $0xFFFFFEF7, lr;
	s5 =	simm.s32 $0xFFFFFFFF;
	p2 =	slt.u32 s8, $0xFFFFF086  }
0x1c: {  	p1 =	slt.u32 s9, $0xF7A;
	s5 =	simm.s32 @!p2 $0x0  }
0x1d: {  	s5 =	simm.s32 @p1 $0x1;
	p0 =	seq.s32 s7, s2  }
0x1e: {  	s7 =	smul.u32 @!p0 $0xF7A, s2;
	p2 =	seq.s32 @!p0 s5, $0x0  }
0x1f: {  	s9 =	smul.u32 $0xF7A, s1;
	s8 =	simm.s32 @!p0 $0x1BF5;
	p2 =	por !p2, p0  }
0x20: {  	[sflag:s8] =	ssyncset.s32 @!p0 $0xFFFFF086;
	s6 =	sadd.s32 @!p0 s3, s7;
	s7 =	simm.s32 @!p0 $0x108  }
0x21: {  	s3 =	sadd.s32 s3, s9;
	s6 =	sadd.s32 @!p0 $0x88, s6;
	s7 =	simm.s32 @p2 $0x1082  }
0x22: {  	[simem:s7], [sflag:s8] =	dma.local @!p0 [hbm:s6], $0xF7A  }
0x23: {  	s9 =	sor.u32 $0xD0000000, s2;
	s6 =	simm.s32 $0x108;
	_ =	swait.ge @!p0 [sflag:s8], $0x0  }
0x24: {  	s3 =	sadd.s32 $0x88, s3;
	s6 =	simm.s32 @!p1 $0x1082;
	[sflag:s4] =	ssyncset.s32 $0xFFFFF086  }
0x25: {  	[simem:s6], [sflag:s4] =	dma.local [hbm:s3], $0xF7A  }
0x26: {  	[smem:$0x3F9F] =	sst s1;
	(tag) =	ssettag s2;
	_ =	strace s9  }
0x27: {  	s1 =	sld [smem:$0x3FAF]  }
0x28: {  	s2 =	sld [smem:$0x3FB0]  }
0x29: {  	s4 =	sld [smem:$0x3FB2]  }
0x2a: {  	p0 =	seq.s32 s5, $0x0;
	s5 =	sld [smem:$0x3FB3]  }
0x2b: {  	s6 =	sld [smem:$0x3FB4]  }
0x2c: {  	s7 =	sld [smem:$0x3FB5]  }
0x2d: {  	s3 =	simm.s32 $0x108;
	s8 =	sld [smem:$0x3FB6]  }
0x2e: {  	s3 =	simm.s32 @!p0 $0x1082;
	s9 =	sld [smem:$0x3FB7]  }
0x2f: {  	lr =	sadd.s32 s0, s3;
	s0 =	sld [smem:$0x3FAE]  }
0x30: {  	s3 =	sld [smem:$0x3FB1]  }
0x31: {  	[smem:$0x3FBA] =	sst s10  }
0x32: {  	s10 =	sld [smem:$0x3FB8];
	_ =	sdelay $0x3  }
0x33: {  	p0 =	seq.s32 s10, $0x1;
	s10 =	sld [smem:$0x3FBA];
	_ =	sdelay $0x3  }
0x34: {  	[smem:$0x3FBA] =	sst s10  }
0x35: {  	s10 =	sld [smem:$0x3FB9];
	_ =	sdelay $0x3  }
0x36: {  	p1 =	seq.s32 s10, $0x1;
	s10 =	sld [smem:$0x3FBA];
	_ =	sdelay $0x3  }
0x37: {  	[smem:$0x3FBA] =	sst s10  }
0x38: {  	s10 =	sld [smem:$0x3FBB]  }
0x39: {  	_ = 	snop;
	(pc) =	sbr.ind lr, $3  }
0x3a: {  	_ = 	snop  }
0x3b: {  	_ = 	snop  }
0x3c: {  	p2 =	seq.s32 s10, $0x1;
	s10 =	sld [smem:$0x3FBA]  }
0x3d: {  	_ =	shalt  }
0x3e: {  	_ =	shalt  }
0x3f: {  	_ =	shalt  }
0x40: {  	_ =	shalt  }
0x41: {  	_ =	shalt  }
0x42: {  	_ =	shalt  }
0x43: {  	_ =	shalt  }
0x44: {  	_ =	shalt  }
0x45: {  	_ =	shalt  }
0x46: {  	_ =	shalt  }
0x47: {  	_ =	shalt  }
0x48: {  	_ =	shalt  }
0x49: {  	_ =	shalt  }
0x4a: {  	_ =	shalt  }
0x4b: {  	_ =	shalt  }
0x4c: {  	_ =	shalt  }
0x4d: {  	_ =	shalt  }
0x4e: {  	_ =	shalt  }
0x4f: {  	_ =	shalt  }
0x50: {  	_ =	shalt  }
0x51: {  	_ =	shalt  }
0x52: {  	_ =	shalt  }
0x53: {  	_ =	shalt  }
0x54: {  	_ =	shalt  }
0x55: {  	_ =	shalt  }
0x56: {  	_ =	shalt  }
0x57: {  	_ =	shalt  }
0x58: {  	_ =	shalt  }
0x59: {  	_ =	shalt  }
0x5a: {  	_ =	shalt  }
0x5b: {  	_ =	shalt  }
0x5c: {  	_ =	shalt  }
0x5d: {  	_ =	shalt  }
0x5e: {  	_ =	shalt  }
0x5f: {  	_ =	shalt  }
0x60: {  	_ =	shalt  }
0x61: {  	_ =	shalt  }
0x62: {  	_ =	shalt  }
0x63: {  	_ =	shalt  }
0x64: {  	_ =	shalt  }
0x65: {  	_ =	shalt  }
0x66: {  	_ =	shalt  }
0x67: {  	_ =	shalt  }
0x68: {  	_ =	shalt  }
0x69: {  	_ =	shalt  }
0x6a: {  	_ =	shalt  }
0x6b: {  	_ =	shalt  }
0x6c: {  	_ =	shalt  }
0x6d: {  	_ =	shalt  }
0x6e: {  	_ =	shalt  }
0x6f: {  	_ =	shalt  }
0x70: {  	_ =	shalt  }
0x71: {  	_ =	shalt  }
0x72: {  	_ =	shalt  }
0x73: {  	_ =	shalt  }
0x74: {  	_ =	shalt  }
0x75: {  	_ =	shalt  }
0x76: {  	_ =	shalt  }
0x77: {  	_ =	shalt  }
0x78: {  	_ =	shalt  }
0x79: {  	_ =	shalt  }
0x7a: {  	_ =	shalt  }
0x7b: {  	_ =	shalt  }
0x7c: {  	_ =	shalt  }
0x7d: {  	_ =	shalt  }
0x7e: {  	_ =	shalt  }
0x7f: {  	_ =	shalt  }
0x80: {  	_ =	shalt  }
0x81: {  	_ =	shalt  }
0x82: {  	_ =	shalt  }
0x83: {  	_ =	shalt  }
0x84: {  	_ =	shalt  }
0x85: {  	_ =	shalt  }
0x86: {  	_ =	shalt  }
0x87: {  	_ =	shalt  }
.Lfunc_end0:
.L_simem_size_0:
called_computation.1_lowered:
.L_overlay_start_0:
0x88: {  	s2 =	sld [smem:$0x3FD9]  }
0x89: {  	s3 =	sld [smem:$0x3FFE];
	_ =	sdelay $0x1  }
0x8a: {  	s1 =	srdreg.scid  }
0x8b: {  	s0 =	sand.u32 $0x1, s1  }
0x8c: {  	s17 =	sshll.u32 s0, $0xA;
	s2 =	sadd.s32 s3, s2  }
0x8d: {  	s2 =	sadd.s32 s2, s17  }
0x8e: {  	[smem:$0x3FC6] =	sst s2  }
0x8f: {  	_ = 	snop  }
0x90: {  	s2 =	sld [smem:$0x3FD0];
	(tm) =	ssettm $0x1  }
0x91: {  	s18 =	sld [smem:$0x3FFB];
	_ =	sdelay $0x3  }
0x92: {  	_ =	strace s18  }
0x93: {  	s3 =	sld [smem:$0x3FFC];
	_ =	sdelay $0x3  }
0x94: {  	_ =	strace s3  }
0x95: {  	s3 =	sld [smem:$0x3FFD];
	_ =	sdelay $0x3  }
0x96: {  	_ =	strace s3  }
0x97: {  	_ =	strace $0x8FFFFFFF  }
0x98: {  	s19 =	sld [smem:$0x3FDB];
	_ =	sdelay $0x1  }
0x99: {  	s4 =	simm.s32 $_scs_section_size  }
0x9a: {  	s5 =	simm.s32 $_size__tile_overlayer_lowered;
	s6 =	simm.s32 $_tile_overlayer_lowered  }
0x9b: {  	s22 =	simm.s32 $0x1BFF;
	s21 =	sshll.u32 s6, $0x1;
	s3 =	sadd.s32 s4, s19  }
0x9c: {  	s7 =	simm.s32 $0x0;
	s20 =	sshll.u32 s5, $0x1;
	s5 =	sadd.s32 s21, s3  }
0x9d: {  	[timem:s7], [sflag:s22] =	dma.local [hbm:s5], s20  }
0x9e: {  	_ =	swait.ge [sflag:s22], s20  }
0x9f: {  	s4 =	ssub.s32 $0x0, s20;
	[sflag:s22] =	ssyncset.done $0x0  }
0xa0: {  	[sflag:s22] =	ssyncadd.s32 s4;
	_ =	sdelay $0x1  }
0xa1: {  	s23 =	simm.s32 $0x1B8B  }
0xa2: {  	_ =	swait.ge [sflag:s23], $0x1  }
0xa3: {  	[sflag:s23] =	ssyncset.done $0x0  }
0xa4: {  	s25 =	simm.s32 $0x1B8E;
	s24 =	sld [smem:$0x3FFE];
	[sflag:s23] =	ssyncadd.s32 $0xFFFFFFFF  }
0xa5: {  	s26 =	simm.s32 $execute0_lowered;
	[smem:$0x3FD2] =	sst s25  }
0xa6: {  	s5 =	sshll.u32 s26, $0x1;
	_ =	strace $0x80000046;
	[dreg:$0x1] =	wrdreg $0xFFFFFFFF  }
0xa7: {  	s28 =	simm.s32 $_size_execute0_lowered;
	s3 =	sadd.s32 s3, s5;
	[dreg:$0x0] =	wrdreg $0x0  }
0xa8: {  	s5 =	sshll.u32 s28, $0x1;
	[dreg:$0x2] =	wrdreg s3  }
0xa9: {  	[dreg:$0x3] =	wrdreg s5  }
0xaa: {  	[dreg:$0x4] =	wrdreg $0xC0  }
0xab: {  	_ =	task [dreg:s7], $0x5FFFF  }
0xac: {  	[dreg:$0x1] =	wrdreg $0xFFFFFFFF  }
0xad: {  	[dreg:$0x0] =	wrdreg $0x60  }
0xae: {  	[dreg:$0x2] =	wrdreg s24  }
0xaf: {  	[dreg:$0x3] =	wrdreg s2  }
0xb0: {  	[dreg:$0x4] =	wrdreg $0x9  }
0xb1: {  	_ =	task.clear_ibuf [dreg:s7], $0x5FFFF;
	_ =	strace $0x90000046  }
0xb2: {  	s29 =	simm.s32 $0x9;
	_ =	strace $0x80000048  }
0xb3: {  	_ =	swait.ge [sflag:s29], $0x1  }
0xb4: {  	[sflag:s29] =	ssyncadd.s32 $0xFFFFFFFF  }
0xb5: {  	_ =	strace $0x90000048  }
0xb6: {  	_ =	sfence  }
0xb7: {  	s30 =	sld [smem:$0x0];
	_ =	sdelay $0x2  }
0xb8: {  	s31 =	sshll.u32 s1, $0xD;
	s1 =	sshrl.u32 s1, $0x2  }
0xb9: {  	s3 =	sand.u32 $0x4000, s31;
	s1 =	sadd.s32 s1, s30  }
0xba: {  	s0 =	sor.u32 s3, s0;
	s1 =	sshll.u32 s1, $0x11  }
0xbb: {  	s0 =	sor.u32 s1, s0  }
0xbc: {  	s0 =	sadd.s32 $0x8F2B, s0  }
0xbd: {  	[sflag:s0] =	ssyncadd.remote.s32 $0x1  }
0xbe: {  	_ =	sfence.sel $0xFFFF  }
0xbf: {  	[dreg:$0x0] =	wrdreg $0xFFFFFFFF;
	(pc) =	sbr.abs _section_cstart, $3  }
0xc0: {  	[dreg:$0x1] =	wrdreg $0xFFFFFFFF  }
0xc1: {  	_ =	task.clear_ibuf [dreg:s7], $0x2FFFF;
	_ =	strace $0x9FFFFFFF  }
0xc2: {  	(tm) =	ssettm $0x7FFFFFFF  }
0xc3: {  	_ =	shalt  }
tec
execute0_lowered:
.L_overlay_start_1:
0x0: {  	(tag) =	ssettag $0x1  }
0x1: {  	s0 =	rddreg [dreg:$0x0];
	s1 =	srdreg.scid  }
0x2: {  	s7 =	stileid.u32;
	s10 =	rddreg [dreg:$0x1];
	s2 =	simm.s32 $0x0  }
0x3: {  	s12 =	simm.s32 $0x5;
	s13 =	simm.s32 $0x80;
	s14 =	simm.s32 $0x6400  }
0x4: {  	s15 =	simm.s32 $0x8400;
	s17 =	simm.s32 $0xA400;
	s19 =	simm.s32 $0xC400  }
0x5: {  	s21 =	simm.s32 $0xE400;
	s23 =	simm.s32 $0x10400;
	s28 =	simm.s32 $0x14400  }
0x6: {  	s30 =	simm.s32 $0x16400;
	s16 =	simm.s32 $0x3;
	s8 =	smul.u32 $0x190, s7  }
0x7: {  	s29 =	simm.s32 $0x2;
	s1 =	sand.u32 $0x1, s1;
	s25 =	smul.u32 $0x64000, s7  }
0x8: {  	s3 =	sshll.u32 s7, $0x1;
	[smem:$0x7FF] =	sst s2;
	s9 =	smul.u32 $0xC8, s1  }
0x9: {  	s3 =	sor.u32 s1, s3;
	s5 =	ssub.s32 $0x2, s1;
	s1 =	smul.u32 $0x32000, s1  }
0xa: {  	s31 =	simm.s32 $0x4;
	_ =	strace $0x80000047;
	s4 =	smul.u32 $0xC80, s3  }
0xb: {  	s20 =	simm.s32 $0x0;
	s6 =	smul.u32 $0x32000, s3;
	s3 =	sadd.s32 $0xF42E00, s0  }
0xc: {  	s24 =	sshrl.u32 s5, $0x1;
	s9 =	sadd.s32 s9, s8;
	s4 =	sadd.s32 s4, s0  }
0xd: {  	s0 =	ssub.s32 s5, s24;
	s6 =	sadd.s32 s10, s6;
	s11 =	sshll.u32 s9, $0xA  }
0xe: {  	s4 =	sadd.s32 $0xA00, s4;
	s0 =	smax.u32 s0, $0x1;
	s7 =	sadd.s32 $0x1400, s6  }
0xf: {  	s8 =	sadd.s32 $0x2F800, s6;
	s9 =	sadd.s32 $0x30C00, s6;
	[dreg:$0x3] =	wrdreg s4  }
0x10: {  	s26 =	sadd.s32 s10, s11;
	[dreg:$0x4] =	wrdreg s0;
	s0 =	sadd.s32 s25, s10  }
0x11: {  	s18 =	sadd.s32 $0x3C00, s26;
	s25 =	simm.s32 $0x12400;
	s0 =	sadd.s32 s1, s0  }
0x12: {  	s1 =	simm.s32 $0x18400;
	s10 =	sadd.s32 $0x2800, s0;
	s0 =	simm.s32 $0x1  }
.LBB2_1:
0x13: {  	s4 =	rddreg [dreg:$0x3]  }
0x14: {  	[tilespmem:s2], [sflag:$0x5] =	stream.linear.gather [hbm4b:s4+s2], $0x6400, $0x38;
	[tilespmem:$0x1A400] =	vst v63  }
0x15: {  	_ =	swait.ge [sflag:s12], $0x6400  }
0x16: {  	[sflag:s12] =	ssyncset.done $0x0  }
0x17: {  	[sflag:s12] =	ssyncadd.s32 $0xFFFF9C00  }
0x18: {  	[tilespmem:s14], [sflag:$0x1] =	stream.indirect.gather [hbm4b:s3+s13], $0x40, s2, s13, $0xb8;
	[tilespmem:$0x1A400] =	vst v63  }
0x19: {  	_ = 	snop  }
0x1a: {  	[tilespmem:s15], [sflag:$0x1] =	stream.indirect.gather [hbm4b:s3+s13], $0x40, s13, s13, $0xb8;
	[tilespmem:$0x1A400] =	vst v63  }
0x1b: {  	s22 =	simm.s32 $0x100  }
0x1c: {  	[tilespmem:s17], [sflag:$0x1] =	stream.indirect.gather [hbm4b:s3+s13], $0x40, s22, s13, $0xb8;
	[tilespmem:$0x1A400] =	vst v63  }
0x1d: {  	s24 =	simm.s32 $0x180  }
0x1e: {  	[tilespmem:s19], [sflag:$0x1] =	stream.indirect.gather [hbm4b:s3+s13], $0x40, s24, s13, $0xb8;
	[tilespmem:$0x1A400] =	vst v63  }
0x1f: {  	s26 =	simm.s32 $0x200  }
0x20: {  	[tilespmem:s21], [sflag:$0x1] =	stream.indirect.gather [hbm4b:s3+s13], $0x40, s26, s13, $0xb8;
	[tilespmem:$0x1A400] =	vst v63  }
0x21: {  	s5 =	simm.s32 $0x280  }
0x22: {  	[tilespmem:s23], [sflag:$0x2] =	stream.indirect.gather [hbm4b:s3+s13], $0x40, s5, s13, $0xb8;
	[tilespmem:$0x1A400] =	vst v63  }
0x23: {  	s11 =	simm.s32 $0x300  }
0x24: {  	[tilespmem:s25], [sflag:$0x2] =	stream.indirect.gather [hbm4b:s3+s13], $0x40, s11, s13, $0xb8;
	[tilespmem:$0x1A400] =	vst v63  }
0x25: {  	s22 =	simm.s32 $0x380  }
0x26: {  	[tilespmem:s28], [sflag:$0x2] =	stream.indirect.gather [hbm4b:s3+s13], $0x40, s22, s13, $0xb8;
	[tilespmem:$0x1A400] =	vst v63  }
0x27: {  	s24 =	simm.s32 $0x400  }
0x28: {  	[tilespmem:s30], [sflag:$0x2] =	stream.indirect.gather [hbm4b:s3+s13], $0x40, s24, s13, $0xb8;
	[tilespmem:$0x1A400] =	vst v63  }
0x29: {  	s26 =	simm.s32 $0x480  }
0x2a: {  	[tilespmem:s1], [sflag:$0x2] =	stream.indirect.gather [hbm4b:s3+s13], $0x40, s26, s13, $0xb8;
	[tilespmem:$0x1A400] =	vst v63  }
0x2b: {  	_ =	swait.ge [sflag:s0], $0xA000  }
0x2c: {  	[sflag:s0] =	ssyncset.done $0x0  }
0x2d: {  	[sflag:s0] =	ssyncadd.s32 $0xFFFF6000  }
0x2e: {  	[hbm4b:s6+s2] =	stream.linear.scatter [tilespmem:s14], [sflag:$0x3], $0xA000, $0x38;
	[tilespmem:$0x1A400] =	vst v63  }
0x2f: {  	_ =	swait.ge [sflag:s16], $0xA000  }
0x30: {  	[sflag:s16] =	ssyncset.done $0x0  }
0x31: {  	s5 =	simm.s32 $0x500;
	[sflag:s16] =	ssyncadd.s32 $0xFFFF6000  }
0x32: {  	[tilespmem:s14], [sflag:$0x1] =	stream.indirect.gather [hbm4b:s3+s13], $0x40, s5, s13, $0xb8;
	[tilespmem:$0x1A400] =	vst v63  }
0x33: {  	s11 =	simm.s32 $0x580  }
0x34: {  	[tilespmem:s15], [sflag:$0x1] =	stream.indirect.gather [hbm4b:s3+s13], $0x40, s11, s13, $0xb8;
	[tilespmem:$0x1A400] =	vst v63  }
0x35: {  	s22 =	simm.s32 $0x600  }
0x36: {  	[tilespmem:s17], [sflag:$0x1] =	stream.indirect.gather [hbm4b:s3+s13], $0x40, s22, s13, $0xb8;
	[tilespmem:$0x1A400] =	vst v63  }
0x37: {  	s24 =	simm.s32 $0x680  }
0x38: {  	[tilespmem:s19], [sflag:$0x1] =	stream.indirect.gather [hbm4b:s3+s13], $0x40, s24, s13, $0xb8;
	[tilespmem:$0x1A400] =	vst v63  }
0x39: {  	s26 =	simm.s32 $0x700  }
0x3a: {  	[tilespmem:s21], [sflag:$0x1] =	stream.indirect.gather [hbm4b:s3+s13], $0x40, s26, s13, $0xb8;
	[tilespmem:$0x1A400] =	vst v63  }
0x3b: {  	_ =	swait.ge [sflag:s29], $0xA000  }
0x3c: {  	[sflag:s29] =	ssyncset.done $0x0  }
0x3d: {  	[sflag:s29] =	ssyncadd.s32 $0xFFFF6000  }
0x3e: {  	[hbm4b:s7+s2] =	stream.linear.scatter [tilespmem:s23], [sflag:$0x4], $0xA000, $0x38;
	[tilespmem:$0x1A400] =	vst v63  }
0x3f: {  	_ =	swait.ge [sflag:s31], $0xA000  }
0x40: {  	[sflag:s31] =	ssyncset.done $0x0  }
0x41: {  	s11 =	simm.s32 $0x780;
	[sflag:s31] =	ssyncadd.s32 $0xFFFF6000  }
0x42: {  	[tilespmem:s23], [sflag:$0x2] =	stream.indirect.gather [hbm4b:s3+s13], $0x40, s11, s13, $0xb8;
	[tilespmem:$0x1A400] =	vst v63  }
0x43: {  	s5 =	simm.s32 $0x800  }
0x44: {  	[tilespmem:s25], [sflag:$0x2] =	stream.indirect.gather [hbm4b:s3+s13], $0x40, s5, s13, $0xb8;
	[tilespmem:$0x1A400] =	vst v63  }
0x45: {  	s22 =	simm.s32 $0x880  }
0x46: {  	[tilespmem:s28], [sflag:$0x2] =	stream.indirect.gather [hbm4b:s3+s13], $0x40, s22, s13, $0xb8;
	[tilespmem:$0x1A400] =	vst v63  }
0x47: {  	s24 =	simm.s32 $0x900  }
0x48: {  	[tilespmem:s30], [sflag:$0x2] =	stream.indirect.gather [hbm4b:s3+s13], $0x40, s24, s13, $0xb8;
	[tilespmem:$0x1A400] =	vst v63  }
0x49: {  	s26 =	simm.s32 $0x980  }
0x4a: {  	[tilespmem:s1], [sflag:$0x2] =	stream.indirect.gather [hbm4b:s3+s13], $0x40, s26, s13, $0xb8;
	[tilespmem:$0x1A400] =	vst v63  }
0x4b: {  	_ =	swait.ge [sflag:s0], $0xA000  }
0x4c: {  	[sflag:s0] =	ssyncset.done $0x0  }
0x4d: {  	[sflag:s0] =	ssyncadd.s32 $0xFFFF6000  }
0x4e: {  	[hbm4b:s10+s2] =	stream.linear.scatter [tilespmem:s14], [sflag:$0x3], $0xA000, $0x38;
	[tilespmem:$0x1A400] =	vst v63  }
0x4f: {  	_ =	swait.ge [sflag:s16], $0xA000  }
0x50: {  	[sflag:s16] =	ssyncset.done $0x0  }
0x51: {  	s4 =	simm.s32 $0xA00;
	[sflag:s16] =	ssyncadd.s32 $0xFFFF6000  }
0x52: {  	[tilespmem:s14], [sflag:$0x1] =	stream.indirect.gather [hbm4b:s3+s13], $0x40, s4, s13, $0xb8;
	[tilespmem:$0x1A400] =	vst v63  }
0x53: {  	s5 =	simm.s32 $0xA80  }
0x54: {  	[tilespmem:s15], [sflag:$0x1] =	stream.indirect.gather [hbm4b:s3+s13], $0x40, s5, s13, $0xb8;
	[tilespmem:$0x1A400] =	vst v63  }
0x55: {  	s22 =	simm.s32 $0xB00  }
0x56: {  	[tilespmem:s17], [sflag:$0x1] =	stream.indirect.gather [hbm4b:s3+s13], $0x40, s22, s13, $0xb8;
	[tilespmem:$0x1A400] =	vst v63  }
0x57: {  	s24 =	simm.s32 $0xB80  }
0x58: {  	[tilespmem:s19], [sflag:$0x1] =	stream.indirect.gather [hbm4b:s3+s13], $0x40, s24, s13, $0xb8;
	[tilespmem:$0x1A400] =	vst v63  }
0x59: {  	s26 =	simm.s32 $0xC00  }
0x5a: {  	[tilespmem:s21], [sflag:$0x1] =	stream.indirect.gather [hbm4b:s3+s13], $0x40, s26, s13, $0xb8;
	[tilespmem:$0x1A400] =	vst v63  }
0x5b: {  	_ =	swait.ge [sflag:s29], $0xA000  }
0x5c: {  	s11 =	smov.u32 s18;
	s22 =	simm.s32 $0x1400;
	[sflag:s29] =	ssyncset.done $0x0  }
0x5d: {  	s24 =	sadd.s32 $0x2800, s10;
	s26 =	sadd.s32 $0x2800, s18;
	[sflag:s29] =	ssyncadd.s32 $0xFFFF6000  }
.LBB2_2:
0x5e: {  	[hbm4b:s11+s2] =	stream.linear.scatter [tilespmem:s23], [sflag:$0x4], $0xA000, $0x38;
	[tilespmem:$0x1A400] =	vst v63  }
0x5f: {  	s11 =	smov.u32 s22;
	s22 =	sadd.s32 $0x1400, s22;
	_ =	swait.ge [sflag:s31], $0xA000  }
0x60: {  	s4 =	sshra.s32 s11, $0x2;
	p0 =	sne.s32 s22, $0x16800;
	[sflag:s31] =	ssyncset.done $0x0  }
0x61: {  	s11 =	smov.u32 s26;
	s5 =	sadd.s32 $0x780, s4;
	[sflag:s31] =	ssyncadd.s32 $0xFFFF6000  }
0x62: {  	[tilespmem:s23], [sflag:$0x2] =	stream.indirect.gather [hbm4b:s3+s13], $0x40, s5, s13, $0xb8;
	[tilespmem:$0x1A400] =	vst v63  }
0x63: {  	s5 =	sadd.s32 $0x800, s4  }
0x64: {  	[tilespmem:s25], [sflag:$0x2] =	stream.indirect.gather [hbm4b:s3+s13], $0x40, s5, s13, $0xb8;
	[tilespmem:$0x1A400] =	vst v63  }
0x65: {  	s5 =	sadd.s32 $0x880, s4  }
0x66: {  	[tilespmem:s28], [sflag:$0x2] =	stream.indirect.gather [hbm4b:s3+s13], $0x40, s5, s13, $0xb8;
	[tilespmem:$0x1A400] =	vst v63  }
0x67: {  	s5 =	sadd.s32 $0x900, s4  }
0x68: {  	[tilespmem:s30], [sflag:$0x2] =	stream.indirect.gather [hbm4b:s3+s13], $0x40, s5, s13, $0xb8;
	[tilespmem:$0x1A400] =	vst v63  }
0x69: {  	s5 =	sadd.s32 $0x980, s4  }
0x6a: {  	[tilespmem:s1], [sflag:$0x2] =	stream.indirect.gather [hbm4b:s3+s13], $0x40, s5, s13, $0xb8;
	[tilespmem:$0x1A400] =	vst v63  }
0x6b: {  	_ =	swait.ge [sflag:s0], $0xA000  }
0x6c: {  	[sflag:s0] =	ssyncset.done $0x0  }
0x6d: {  	[sflag:s0] =	ssyncadd.s32 $0xFFFF6000  }
0x6e: {  	[hbm4b:s24+s2] =	stream.linear.scatter [tilespmem:s14], [sflag:$0x3], $0xA000, $0x38;
	[tilespmem:$0x1A400] =	vst v63  }
0x6f: {  	_ =	swait.ge [sflag:s16], $0xA000  }
0x70: {  	[sflag:s16] =	ssyncset.done $0x0  }
0x71: {  	s5 =	sadd.s32 $0xA00, s4;
	[sflag:s16] =	ssyncadd.s32 $0xFFFF6000  }
0x72: {  	[tilespmem:s14], [sflag:$0x1] =	stream.indirect.gather [hbm4b:s3+s13], $0x40, s5, s13, $0xb8;
	[tilespmem:$0x1A400] =	vst v63  }
0x73: {  	s5 =	sadd.s32 $0xA80, s4  }
0x74: {  	[tilespmem:s15], [sflag:$0x1] =	stream.indirect.gather [hbm4b:s3+s13], $0x40, s5, s13, $0xb8;
	[tilespmem:$0x1A400] =	vst v63  }
0x75: {  	s5 =	sadd.s32 $0xB00, s4  }
0x76: {  	[tilespmem:s17], [sflag:$0x1] =	stream.indirect.gather [hbm4b:s3+s13], $0x40, s5, s13, $0xb8;
	[tilespmem:$0x1A400] =	vst v63  }
0x77: {  	s5 =	sadd.s32 $0xB80, s4  }
0x78: {  	[tilespmem:s19], [sflag:$0x1] =	stream.indirect.gather [hbm4b:s3+s13], $0x40, s5, s13, $0xb8;
	[tilespmem:$0x1A400] =	vst v63  }
.Ltmp0:
0x79: {  	s4 =	sadd.s32 $0xC00, s4;
	(pc) =	sbr.rel @p0 .LBB2_2-.Ltmp0, $4  }
0x7a: {  	[tilespmem:s21], [sflag:$0x1] =	stream.indirect.gather [hbm4b:s3+s13], $0x40, s4, s13, $0xb8;
	[tilespmem:$0x1A400] =	vst v63  }
0x7b: {  	_ =	swait.ge [sflag:s29], $0xA000  }
0x7c: {  	[sflag:s29] =	ssyncset.done $0x0  }
0x7d: {  	s26 =	sadd.s32 $0x2800, s26;
	s24 =	sadd.s32 $0x2800, s24;
	[sflag:s29] =	ssyncadd.s32 $0xFFFF6000  }
0x7e: {  	[hbm4b:s11+s2] =	stream.linear.scatter [tilespmem:s23], [sflag:$0x4], $0xA000, $0x38;
	[tilespmem:$0x1A400] =	vst v63  }
0x7f: {  	_ =	swait.ge [sflag:s31], $0xA000  }
0x80: {  	[sflag:s31] =	ssyncset.done $0x0  }
0x81: {  	s4 =	simm.s32 $0x6180;
	s11 =	sshra.s32 s22, $0x2;
	[sflag:s31] =	ssyncadd.s32 $0xFFFF6000  }
0x82: {  	[tilespmem:s23], [sflag:$0x2] =	stream.indirect.gather [hbm4b:s3+s13], $0x40, s4, s13, $0xb8;
	[tilespmem:$0x1A400] =	vst v63  }
0x83: {  	s5 =	sadd.s32 $0x800, s11  }
0x84: {  	[tilespmem:s25], [sflag:$0x2] =	stream.indirect.gather [hbm4b:s3+s13], $0x40, s5, s13, $0xb8;
	[tilespmem:$0x1A400] =	vst v63  }
0x85: {  	s22 =	sadd.s32 $0x880, s11  }
0x86: {  	[tilespmem:s28], [sflag:$0x2] =	stream.indirect.gather [hbm4b:s3+s13], $0x40, s22, s13, $0xb8;
	[tilespmem:$0x1A400] =	vst v63  }
0x87: {  	s24 =	sadd.s32 $0x900, s11  }
0x88: {  	[tilespmem:s30], [sflag:$0x2] =	stream.indirect.gather [hbm4b:s3+s13], $0x40, s24, s13, $0xb8;
	[tilespmem:$0x1A400] =	vst v63  }
0x89: {  	s4 =	sadd.s32 $0x980, s11  }
0x8a: {  	[tilespmem:s1], [sflag:$0x2] =	stream.indirect.gather [hbm4b:s3+s13], $0x40, s4, s13, $0xb8;
	[tilespmem:$0x1A400] =	vst v63  }
0x8b: {  	_ =	swait.ge [sflag:s0], $0xA000  }
0x8c: {  	[sflag:s0] =	ssyncset.done $0x0  }
0x8d: {  	[sflag:s0] =	ssyncadd.s32 $0xFFFF6000  }
0x8e: {  	[hbm4b:s8+s2] =	stream.linear.scatter [tilespmem:s14], [sflag:$0x3], $0xA000, $0x38;
	[tilespmem:$0x1A400] =	vst v63  }
0x8f: {  	_ =	swait.ge [sflag:s29], $0xA000  }
0x90: {  	[sflag:s29] =	ssyncset.done $0x0  }
0x91: {  	[sflag:s29] =	ssyncadd.s32 $0xFFFF6000  }
0x92: {  	[hbm4b:s9+s2] =	stream.linear.scatter [tilespmem:s23], [sflag:$0x4], $0xA000, $0x38;
	[tilespmem:$0x1A400] =	vst v63  }
0x93: {  	_ =	swait.ge [sflag:s16], $0xA000  }
0x94: {  	[sflag:s16] =	ssyncset.done $0x0  }
0x95: {  	[sflag:s16] =	ssyncadd.s32 $0xFFFF6000  }
0x96: {  	_ =	swait.ge [sflag:s31], $0xA000  }
0x97: {  	s20 =	sadd.s32 $0x1, s20;
	s26 =	rddreg [dreg:$0x4]  }
0x98: {  	p0 =	sne.s32 s20, s26  }
.Ltmp1:
0x99: {  	_ = 	snop;
	(pc) =	sbr.rel @p0 .LBB2_1-.Ltmp1, $3  }
0x9a: {  	_ =	sdelay $0x1  }
0x9b: {  	[sflag:s31] =	ssyncset.done $0x0  }
0x9c: {  	[sflag:s31] =	ssyncadd.s32 $0xFFFF6000  }
0x9d: {  	_ =	sfence.sel $0x180000  }
0x9e: {  	[bflag:$0x0] =	sbarrier.arrive $0xFFFF  }
0x9f: {  	_ =	strace $0x90000047  }
0xa0: {  	s0 =	stileid.u32;
	[bflag:$0x2] =	sbarrier.arrive $0xFFFF  }
0xa1: {  	p0 =	sne.s32 s0, $0x0;
	s0 =	rddreg [dreg:$0x2]  }
0xa2: {  	s0 =	sadd.s32 @!p0 $0x100000, s0  }
0xa3: {  	[sflag:s0] =	ssyncadd.tile.s32 @!p0 $0x1;
	_ =	shalt  }
.Lfunc_end2:
_tile_overlayer_lowered:
.L_overlay_start_2:
0xa4: {  	(tag) =	ssettag $0x2  }
0xa5: {  	s0 =	rddreg [dreg:$0x0];
	s2 =	stileid.u32  }
0xa6: {  	s1 =	rddreg [dreg:$0x1];
	p0 =	sne.s32 s2, $0x0  }
0xa7: {  	s3 =	rddreg [dreg:$0x2];
	[bflag:$0x3] =	sbarrier.arrive $0xFFFF;
	s2 =	simm.s32 @!p0 $0x1C05  }
0xa8: {  	[timem:s3], [sflag:s2] =	dma.local @!p0 [hbm:s0], s1  }
0xa9: {  	s0 =	simm.s32 @!p0 $0x5  }
0xaa: {  	_ =	swait.ge @!p0 [sflag:s0], s1  }
0xab: {  	s1 =	ssub.s32 @!p0 $0x0, s1;
	[sflag:s0] =	ssyncset.done @!p0 $0x0  }
0xac: {  	[sflag:s0] =	ssyncadd.s32 @!p0 s1  }
0xad: {  	[bflag:$0x3] =	sbarrier.arrive $0xFFFF  }
0xae: {  	_ =	shalt  }

// kernel: sparse-core-data-format-call.cloned.1.call-start
scs
called_computation_lowered:
.L_overlay_start_0:
0x0: {  	s2 =	sld [smem:$0x3FD9]  }
0x1: {  	s3 =	sld [smem:$0x3FFE];
	_ =	sdelay $0x1  }
0x2: {  	s1 =	srdreg.scid  }
0x3: {  	s0 =	sand.u32 $0x1, s1  }
0x4: {  	s18 =	sshll.u32 s0, $0xA;
	s2 =	sadd.s32 s3, s2  }
0x5: {  	s2 =	sadd.s32 s2, s18  }
0x6: {  	[smem:$0x3FC6] =	sst s2  }
0x7: {  	_ = 	snop  }
0x8: {  	s2 =	sld [smem:$0x3FD0];
	(tm) =	ssettm $0x1  }
0x9: {  	s19 =	sld [smem:$0x3FFB];
	_ =	sdelay $0x3  }
0xa: {  	_ =	strace s19  }
0xb: {  	s3 =	sld [smem:$0x3FFC];
	_ =	sdelay $0x3  }
0xc: {  	_ =	strace s3  }
0xd: {  	s3 =	sld [smem:$0x3FFD];
	_ =	sdelay $0x3  }
0xe: {  	_ =	strace s3  }
0xf: {  	_ =	strace $0x8FFFFFFF  }
0x10: {  	s20 =	sld [smem:$0x3FDB];
	_ =	sdelay $0x1  }
0x11: {  	s4 =	simm.s32 $_scs_section_size  }
0x12: {  	s5 =	simm.s32 $_size__tile_overlayer_lowered;
	s6 =	simm.s32 $_tile_overlayer_lowered  }
0x13: {  	s23 =	simm.s32 $0x1BFF;
	s22 =	sshll.u32 s6, $0x1;
	s3 =	sadd.s32 s4, s20  }
0x14: {  	s7 =	simm.s32 $0x0;
	s21 =	sshll.u32 s5, $0x1;
	s5 =	sadd.s32 s22, s3  }
0x15: {  	[timem:s7], [sflag:s23] =	dma.local [hbm:s5], s21  }
0x16: {  	_ =	swait.ge [sflag:s23], s21  }
0x17: {  	s4 =	ssub.s32 $0x0, s21;
	[sflag:s23] =	ssyncset.done $0x0  }
0x18: {  	[sflag:s23] =	ssyncadd.s32 s4;
	_ =	sdelay $0x1  }
0x19: {  	s24 =	simm.s32 $0x1B8B  }
0x1a: {  	_ =	swait.ge [sflag:s24], $0x1  }
0x1b: {  	[sflag:s24] =	ssyncset.done $0x0  }
0x1c: {  	s26 =	simm.s32 $0x1B8E;
	s25 =	sld [smem:$0x3FFE];
	[sflag:s24] =	ssyncadd.s32 $0xFFFFFFFF  }
0x1d: {  	s27 =	simm.s32 $execute0_lowered;
	[smem:$0x3FD2] =	sst s26  }
0x1e: {  	s5 =	sshll.u32 s27, $0x1;
	_ =	strace $0x80000049;
	[dreg:$0x1] =	wrdreg $0xFFFFFFFF  }
0x1f: {  	s28 =	simm.s32 $_size_execute0_lowered;
	s3 =	sadd.s32 s3, s5;
	[dreg:$0x0] =	wrdreg $0x0  }
0x20: {  	s5 =	sshll.u32 s28, $0x1;
	[dreg:$0x2] =	wrdreg s3  }
0x21: {  	[dreg:$0x3] =	wrdreg s5  }
0x22: {  	[dreg:$0x4] =	wrdreg $0xC0  }
0x23: {  	_ =	task [dreg:s7], $0x5FFFF  }
0x24: {  	[dreg:$0x1] =	wrdreg $0xFFFFFFFF  }
0x25: {  	[dreg:$0x0] =	wrdreg $0x60  }
0x26: {  	[dreg:$0x2] =	wrdreg s25  }
0x27: {  	[dreg:$0x3] =	wrdreg s2  }
0x28: {  	[dreg:$0x4] =	wrdreg $0x9  }
0x29: {  	_ =	task.clear_ibuf [dreg:s7], $0x5FFFF;
	_ =	strace $0x90000049  }
0x2a: {  	s29 =	simm.s32 $0x9;
	_ =	strace $0x8000004B  }
0x2b: {  	_ =	swait.ge [sflag:s29], $0x1  }
0x2c: {  	[sflag:s29] =	ssyncadd.s32 $0xFFFFFFFF  }
0x2d: {  	_ =	strace $0x9000004B  }
0x2e: {  	_ =	sfence  }
0x2f: {  	s30 =	sld [smem:$0x0];
	_ =	sdelay $0x2  }
0x30: {  	s31 =	sshll.u32 s1, $0xD;
	s1 =	sshrl.u32 s1, $0x2  }
0x31: {  	s3 =	sand.u32 $0x4000, s31;
	s1 =	sadd.s32 s1, s30  }
0x32: {  	s0 =	sor.u32 s3, s0;
	s1 =	sshll.u32 s1, $0x11  }
0x33: {  	s0 =	sor.u32 s1, s0  }
0x34: {  	s0 =	sadd.s32 $0x8F2B, s0  }
0x35: {  	[sflag:s0] =	ssyncadd.remote.s32 $0x1  }
0x36: {  	_ =	sfence.sel $0xFFFF  }
0x37: {  	[dreg:$0x0] =	wrdreg $0xFFFFFFFF;
	(pc) =	sbr.abs _section_cstart, $3  }
0x38: {  	[dreg:$0x1] =	wrdreg $0xFFFFFFFF  }
0x39: {  	_ =	task.clear_ibuf [dreg:s7], $0x2FFFF;
	_ =	strace $0x9FFFFFFF  }
0x3a: {  	(tm) =	ssettm $0x7FFFFFFF  }
0x3b: {  	_ =	shalt  }
tec
execute0_lowered:
.L_overlay_start_1:
0x0: {  	(tag) =	ssettag $0x1  }
0x1: {  	s0 =	srdreg.scid  }
0x2: {  	s1 =	sshll.u32 s0, $0x4  }
0x3: {  	s0 =	stileid.u32;
	s1 =	sand.u32 $0x10, s1  }
0x4: {  	s1 =	sor.u32 s0, s1  }
0x5: {  	s6 =	rddreg [dreg:$0x0];
	s4 =	simm.s32 $0x1;
	s2 =	sshll.u32 s1, $0x7  }
0x6: {  	s7 =	simm.s32 $0x2;
	s12 =	simm.s32 $0x0;
	s1 =	ssub.s32 $0x4000, s2  }
0x7: {  	s8 =	simm.s32 $0x20000;
	s13 =	simm.s32 $0x0;
	s3 =	sand.u32 $0xF80, s1  }
0x8: {  	s9 =	simm.s32 $0x0;
	s5 =	sshrl.u32 s1, $0xC;
	p0 =	sne.s32 s3, $0x0  }
.Ltmp0:
0x9: {  	s1 =	rddreg [dreg:$0x2];
	s4 =	simm.s32 @!p0 $0x0;
	(pc) =	sbr.rel .LBB1_1-.Ltmp0, $4  }
0xa: {  	s11 =	simm.s32 $0x0;
	s3 =	rddreg [dreg:$0x1];
	s5 =	sadd.s32 s4, s5  }
0xb: {  	_ =	strace $0x8000004A;
	s4 =	simm.s32 $0x1;
	s5 =	smul.u32 $0x32, s5  }
0xc: {  	s6 =	sadd.s32 $0xA00, s6;
	s10 =	smov.u32 s2;
	[sflag:s4] =	ssyncpa.u1 $0x0  }
0xd: {  	p0 =	por $0x0, $0x0;
	[sflag:s7] =	ssyncpa.u1 $0x0;
	s7 =	sor.u32 $0x1, s5  }
.LBB1_4:
0xe: {  	s16 =	sshll.u32 s13, $0x3;
	s17 =	sand.u32 $0x78, s13  }
0xf: {  	s30 =	sand.u32 $0x1F800, s13;
	s12 =	sshll.u32 s12, $0x11;
	s16 =	sand.u32 $0x3C00, s16  }
0x10: {  	[tilespmem:s15+$0x810 ss:$0x81] =	vst.msk $0xffff, v2;
	s31 =	sand.u32 $0x7, s13;
	s16 =	sor.u32 s17, s16;
	s17 =	sadd.s32 s3, s30  }
0x11: {  	[tilespmem:s15+$0x1020 ss:$0x81] =	vst.msk $0xffff, v0;
	s13 =	sshll.u32 s31, $0x12;
	s12 =	sadd.s32 s12, s17;
	s16 =	sshrl.u32 s16, $0x3  }
0x12: {  	[tilespmem:s15+$0x0 ss:$0x81] =	vst.msk $0xffff, v1;
	s13 =	sor.u32 $0x400, s13;
	s12 =	sadd.s32 s16, s12  }
0x13: {  	[hbm4b:s12+s13] =	stream.strided.scatter [tilespmem:s14], [sflag:$0x2], $0x2000, s8, s13, $0x20;
	[tilespmem:$0x8080] =	vst v63  }
.LBB1_5:
0x14: {  	s14 =	sadd.s32 $0x1, s9  }
0x15: {  	s12 =	sadd.s32 $0x1000, s10;
	s16 =	smov.u32 s10;
	p2 =	sgt.s32 s14, $0x31  }
0x16: {  	s16 =	smov.u32 @p2 s12  }
0x17: {  	s14 =	simm.s32 @p2 $0x0;
	p2 =	sgt.s32 s16, $0x3FFF  }
0x18: {  	s16 =	smov.u32 @p2 s2;
	p2 =	sne.s32 s11, s7  }
.Ltmp1:
0x19: {  	p1 =	slt.u32 s11, $0x2;
	(pc) =	sbr.rel @!p2 .LBB1_6-.Ltmp1, $4  }
0x1a: {  	s15 =	simm.s32 @!p1 $0x2  }
0x1b: {  	s13 =	smov.u32 s10;
	p0 =	por !p0, !p0;
	_ =	swait.ge @!p1 [sflag:s15], $0x2000  }
0x1c: {  	s12 =	smov.u32 s9;
	[sflag:s15] =	ssyncset.done @!p1 $0x0;
	s9 =	smov.u32 s14  }
0x1d: {  	s11 =	sadd.s32 $0x1, s11;
	[sflag:s15] =	ssyncadd.s32 @!p1 $0xFFFFE000;
	s10 =	smov.u32 s16  }
.LBB1_1:
0x1e: {  	p1 =	sge.u32 s11, s5  }
0x1f: {  	s14 =	sand.u32 @!p1 $0x1FFFFFF, s9  }
0x20: {  	s15 =	smulhi.u32 @!p1 $0x4924925, s14;
	_ =	sdelay $0x1  }
0x21: {  	s15 =	smul.u32 @!p1 $0x38, s15  }
0x22: {  	s16 =	sxor.u32 @!p1 $0xFFFFFFFF, s11;
	s17 =	smul.u32 @!p1 $0x380, s10  }
0x23: {  	s31 =	sadd.s32 $0xFFFFFFFF, s11;
	s16 =	sshll.u32 @!p1 s16, $0xD;
	s14 =	ssub.s32 @!p1 s14, s15  }
0x24: {  	s15 =	sand.u32 @!p1 $0x2000, s16;
	s16 =	sadd.s32 @!p1 s6, s17;
	s14 =	sshll.u32 @!p1 s14, $0x4  }
0x25: {  	s17 =	simm.s32 @!p1 $0x1C00;
	s14 =	sadd.s32 @!p1 s14, s16;
	s16 =	simm.s32 @!p1 $0x40  }
0x26: {  	[tilespmem:s15], [sflag:$0x1] =	stream.strided.gather @!p1 [hbm4b:s14+s16], $0x2000, s17, s16, $0x38;
	[tilespmem:$0x8080] =	vst v63  }
0x27: {  	p1 =	sge.u32 s31, s5  }
.Ltmp2:
0x28: {  	_ = 	snop;
	(pc) =	sbr.rel @p1 .LBB1_5-.Ltmp2, $1  }
0x29: {  	_ =	sdelay $0x3  }
0x2a: {  	s14 =	simm.s32 $0x1  }
0x2b: {  	_ =	swait.ge [sflag:s4], $0x2000;
	s14 =	simm.s32 @!p0 $0x0  }
0x2c: {  	[sflag:s4] =	ssyncset.done $0x0;
	s15 =	sshll.u32 s14, $0xD  }
0x2d: {  	[sflag:s4] =	ssyncadd.s32 $0xFFFFE000;
	s18 =	sor.u32 $0x20, s15  }
0x2e: {  	s14 =	smul.u32 $0x8100, s14;
	v3 =	vld [tilespmem:s18+$0x10]  }
0x2f: {  	s30 =	sand.u32 $0x1, s11;
	v2 =	vld [tilespmem:s18+$0xFFFFFFF0]  }
0x30: {  	s15 =	smul.u32 $0x8100, s30;
	s14 =	sshrl.u32 s14, $0x2;
	v0 =	vld [tilespmem:s18+$0x0]  }
0x31: {  	v1 =	vld [tilespmem:s18+$0xFFFFFFE0];
	s16 =	sor.u32 $0x4000, s14  }
0x32: {  	s31 =	sshrl.u32 s15, $0x2;
	s15 =	sadd.s32 $0x0, s16  }
0x33: {  	s17 =	simm.s32 $0x4;
	s18 =	sadd.s32 $0x40, s18;
	s14 =	sor.u32 $0x4000, s31;
	[tilespmem:s15+$0x1830 ss:$0x81] =	vst.msk $0xffff, v3  }
.LBB1_3:
0x34: {  	v3 =	vld [tilespmem:s18+$0x10];
	p1 =	sne.s32 s17, $0x1FC;
	[tilespmem:s15+$0x810 ss:$0x81] =	vst.msk $0xffff, v2;
	s19 =	smov.u32 s17;
	s17 =	sadd.s32 $0x4, s17  }
.Ltmp3:
0x35: {  	v2 =	vld [tilespmem:s18+$0xFFFFFFF0];
	[tilespmem:s15+$0x1020 ss:$0x81] =	vst.msk $0xffff, v0;
	(pc) =	sbr.rel @p1 .LBB1_3-.Ltmp3, $4  }
0x36: {  	v0 =	vld [tilespmem:s18+$0x0];
	[tilespmem:s15+$0x0 ss:$0x81] =	vst.msk $0xffff, v1  }
0x37: {  	s15 =	sshra.s32 s19, $0x2;
	v1 =	vld [tilespmem:s18+$0xFFFFFFE0]  }
0x38: {  	s15 =	sadd.s32 s15, s16  }
0x39: {  	s18 =	sadd.s32 $0x40, s18;
	[tilespmem:s15+$0x1830 ss:$0x81] =	vst.msk $0xffff, v3  }
.Ltmp4:
0x3a: {  	_ = 	snop;
	(pc) =	sbr.rel .LBB1_4-.Ltmp4, $1  }
0x3b: {  	_ =	sdelay $0x3  }
.LBB1_6:
0x3c: {  	_ =	sfence.sel $0x180000  }
0x3d: {  	s2 =	simm.s32 $0x1;
	[bflag:$0x0] =	sbarrier.arrive $0xFFFF  }
0x3e: {  	s31 =	simm.s32 $0x2;
	[sflag:s2] =	ssyncpa.u1 $0x1  }
0x3f: {  	[sflag:s31] =	ssyncpa.u1 $0x1  }
0x40: {  	p0 =	sne.s32 s0, $0x0;
	_ =	strace $0x9000004A  }
0x41: {  	s0 =	sadd.s32 @!p0 $0x100000, s1;
	[bflag:$0x2] =	sbarrier.arrive $0xFFFF  }
0x42: {  	[sflag:s0] =	ssyncadd.tile.s32 @!p0 $0x1;
	_ =	shalt  }
.Lfunc_end1:
_tile_overlayer_lowered:
.L_overlay_start_2:
0x43: {  	(tag) =	ssettag $0x2  }
0x44: {  	s0 =	rddreg [dreg:$0x0];
	s2 =	stileid.u32  }
0x45: {  	s1 =	rddreg [dreg:$0x1];
	p0 =	sne.s32 s2, $0x0  }
0x46: {  	s3 =	rddreg [dreg:$0x2];
	[bflag:$0x3] =	sbarrier.arrive $0xFFFF;
	s2 =	simm.s32 @!p0 $0x1C01  }
0x47: {  	[timem:s3], [sflag:s2] =	dma.local @!p0 [hbm:s0], s1  }
0x48: {  	s0 =	simm.s32 @!p0 $0x1  }
0x49: {  	_ =	swait.ge @!p0 [sflag:s0], s1  }
0x4a: {  	s1 =	ssub.s32 @!p0 $0x0, s1;
	[sflag:s0] =	ssyncset.done @!p0 $0x0  }
0x4b: {  	[sflag:s0] =	ssyncadd.s32 @!p0 s1  }
0x4c: {  	[bflag:$0x3] =	sbarrier.arrive $0xFFFF  }
0x4d: {  	_ =	shalt  }

</sc_bundles>
